<compile_context>
chip_gen: v7x
topology: tpu7x:2x2x1
jax: 0.10.2.dev20260603
libtpu: 0.0.44.dev20260713+nightly
codegen_flags: <defaults>
</compile_context>

<pallas_src>
import functools

import jax
import jax.numpy as jnp
from jax import lax
from jax.experimental import pallas as pl
from jax.experimental.pallas import tpu as pltpu
from jax.experimental.pallas import tpu_sc as plsc

N_DST = 10000
DIM = 96
TDIM = 128
ZROW = 50000
NZROW = 2048
NC = 2
NS = 16
NW = NC * NS
C = 64
N_ACC = 10368
JUNK = N_DST
RPT = N_ACC // NS
SB = 40
NBUF = 4


def _sc_segment_sum(xt, srcs, dsts, z2, NSB):
    mesh = plsc.VectorSubcoreMesh(
        core_axis_name="c", subcore_axis_name="s", num_cores=NC, num_subcores=NS
    )

    @functools.partial(
        pl.kernel,
        mesh=mesh,
        compiler_params=pltpu.CompilerParams(use_tc_tiling_on_sc=False),
        out_type=jax.ShapeDtypeStruct((NC, N_ACC, TDIM), jnp.float32),
        scratch_types=[
            pltpu.VMEM((2, SB, C), jnp.int32),
            pltpu.VMEM((2, SB, C), jnp.int32),
            pltpu.VMEM((NBUF, C, TDIM), jnp.float32),
            pltpu.VMEM_SHARED((N_ACC, TDIM), jnp.float32),
        ] + [pltpu.SemaphoreType.DMA] * (2 * NBUF + 1),
    )
    def sc_body(xt_hbm, srcs_hbm, dsts_hbm, z2_hbm, acc_hbm,
                src_v, dst_v, rows_v, acc_sh, *sems):
        semg = sems[:NBUF]
        sems_ = sems[NBUF:2 * NBUF]
        semi = sems[-1]
        s = lax.axis_index("s")
        c = lax.axis_index("c")
        g = c * NS + s

        r0 = s * RPT
        pltpu.sync_copy(z2_hbm, acc_sh.at[pl.ds(r0, RPT)])

        plsc.subcore_barrier()

        def drain_scatter(i):
            pltpu.make_async_copy(
                rows_v.at[i], acc_sh.at[dst_v.at[0, i]], sems_[i]).wait()

        def stage(t, b):
            return (
                pltpu.async_copy(
                    srcs_hbm.at[g, pl.ds(t * SB, SB)], src_v.at[b], semi),
                pltpu.async_copy(
                    dsts_hbm.at[g, pl.ds(t * SB, SB)], dst_v.at[b], semi),
            )

        def remap(b):
            def remap_body(j, rcarry):
                for k in range(C // 16):
                    sl = pl.ds(k * 16, 16)
                    s16 = src_v[b, j, sl]
                    src_v[b, j, sl] = jnp.where(
                        s16 < N_DST, ZROW + (s16 & (NZROW - 1)), s16
                    )
                return rcarry

            lax.fori_loop(0, SB, remap_body, 0)

        def ring(t, b):
            def ring_body(q, qcarry):
                cps = []
                for i in range(NBUF):
                    @pl.when((t > 0) | (q > 0))
                    def _(i=i):
                        drain_scatter(i)
                    cps.append(pltpu.async_copy(
                        xt_hbm.at[src_v.at[b, q * NBUF + i]], rows_v.at[i],
                        semg[i]))
                for i in range(NBUF):
                    cps[i].wait()
                    pltpu.async_copy(
                        rows_v.at[i], acc_sh.at[dst_v.at[b, q * NBUF + i]],
                        sems_[i], add=True)
                return qcarry

            lax.fori_loop(0, SB // NBUF, ring_body, 0)

        c0, c1 = stage(0, 0)
        c0.wait()
        c1.wait()
        remap(0)

        def sb_pair(p, carry):
            for b in range(2):
                t = 2 * p + b
                nxt = stage(jnp.where(t < NSB - 1, t + 1, 0), 1 - b)
                ring(t, b)
                nc0, nc1 = nxt
                nc0.wait()
                nc1.wait()
                remap(1 - b)
            return carry

        lax.fori_loop(0, NSB // 2, sb_pair, 0)

        for i in range(NBUF):
            drain_scatter(i)

        plsc.subcore_barrier()

        pltpu.sync_copy(acc_sh.at[pl.ds(r0, RPT)], acc_hbm.at[c, pl.ds(r0, RPT)])

    return sc_body(xt, srcs, dsts, z2)


def _tc_combine(acc, x):
    BR = 400

    def tc_body(acc_ref, x_ref, o_ref):
        a = acc_ref[0] + acc_ref[1]
        dg = jnp.maximum(a[:, DIM:DIM + 1], 1.0)
        h1 = a[:, :DIM] / dg
        o_ref[...] = jnp.concatenate([h1, x_ref[...]], axis=1)

    return pl.pallas_call(
        tc_body,
        grid=(N_DST // BR,),
        in_specs=[
            pl.BlockSpec((NC, BR, TDIM), lambda b: (0, b, 0)),
            pl.BlockSpec((BR, DIM), lambda b: (b, 0)),
        ],
        out_specs=pl.BlockSpec((BR, 2 * DIM), lambda b: (b, 0)),
        out_shape=jax.ShapeDtypeStruct((N_DST, 2 * DIM), jnp.float32),
    )(acc, x)


def kernel(x, edge_src, edge_dst, num_dst):
    x = x.astype(jnp.float32)
    src = edge_src.astype(jnp.int32)
    dst = edge_dst.astype(jnp.int32)
    E = src.shape[0]
    N_SRC = x.shape[0]
    NSB = -(-E // (NW * C * SB))
    NSB += NSB % 2
    K = NSB * SB
    e_pad = NW * K * C
    pad = e_pad - E
    if pad:
        src = jnp.concatenate(
            [src, ZROW + (jnp.arange(pad, dtype=jnp.int32) & (NZROW - 1))])
        dst = jnp.concatenate(
            [dst, JUNK + (jnp.arange(pad, dtype=jnp.int32) & 255)])
    srcs = src.reshape(NW, K, C)
    dsts = dst.reshape(NW, K, C)
    xr = jnp.concatenate([x, jnp.zeros((NZROW, DIM), jnp.float32)], axis=0)
    xt = jnp.concatenate(
        [xr,
         jnp.ones((N_SRC + NZROW, 1), jnp.float32),
         jnp.zeros((N_SRC + NZROW, TDIM - DIM - 1), jnp.float32)], axis=1)
    z2 = jnp.zeros((RPT, TDIM), jnp.float32)
    acc = _sc_segment_sum(xt, srcs, dsts, z2, NSB)
    return _tc_combine(acc, x)

# --- scband reference (transcript-rebuilt; emitter-appended) ---
"""Pipeline reference for scband-id-model-full-mean-24816321036423 (READ-ONLY COPY).

The authoritative reference and input builder live on the scoring server;
editing this copy changes nothing except your own understanding.
"""

import jax, jax.numpy as jnp
import numpy as np

N_SRC = 50000
N_DST = 10000
E = 800000
HIDDEN = 32
D = 3 * HIDDEN


def setup_inputs(seed: int = 0) -> dict:
    key = jax.random.key(seed)
    k1, k2, k3 = jax.random.split(key, 3)
    x = jax.random.normal(k1, (N_SRC, D), dtype=jnp.float32)
    edge_src = jax.random.randint(k2, (E,), 0, N_SRC, dtype=jnp.int64 if jax.config.jax_enable_x64 else jnp.int32)
    edge_dst = jax.random.randint(k3, (E,), 0, N_DST, dtype=jnp.int64 if jax.config.jax_enable_x64 else jnp.int32)
    return {"x": x, "edge_src": edge_src, "edge_dst": edge_dst, "num_dst": N_DST}


def reference(x, edge_src, edge_dst, num_dst):
    # b.srcdata['v'] = cat([zeros(num_dst, d), h[num_dst:]]) -> zero out dst-node rows
    row_idx = jnp.arange(x.shape[0])
    v = jnp.where((row_idx < num_dst)[:, None], jnp.zeros((), dtype=x.dtype), x)
    # update_all(copy_u('v','m'), mean('m','h1')): per-dst-node mean over incoming edges
    msgs = jnp.take(v, edge_src, axis=0)
    s = jax.ops.segment_sum(msgs, edge_dst, num_segments=N_DST)
    deg = jax.ops.segment_sum(jnp.ones(edge_dst.shape[0], dtype=x.dtype), edge_dst, num_segments=N_DST)
    h1 = s / jnp.maximum(deg, 1.0)[:, None]
    # target_input = cat([h1 chunks (3 x hidden), h_dst chunks (3 x hidden)]) == cat([h1, x[:num_dst]])
    rst = jnp.concatenate([h1, x[:N_DST]], axis=1)
    return rst

if __name__ == "__main__":
    import jax
    _d = setup_inputs()
    print(jax.jit(kernel)(*tuple(_d.values())))

</pallas_src>

<mosaic_0001>
#map = affine_map<(d0, d1) -> (0, 0)>
#map1 = affine_map<(d0, d1) -> (0, 0, 0)>
module attributes {stable_mosaic.version = 14 : i64} {
  func.func @sc_body(%arg0: i32, %arg1: i32, %arg2: memref<52048x128xf32, #tpu.memory_space<hbm>>, %arg3: memref<32x400x64xi32, #tpu.memory_space<hbm>>, %arg4: memref<32x400x64xi32, #tpu.memory_space<hbm>>, %arg5: memref<648x128xf32, #tpu.memory_space<hbm>>, %arg6: memref<2x10368x128xf32, #tpu.memory_space<hbm>>, %arg7: memref<2x40x64xi32, #tpu.memory_space<vmem>>, %arg8: memref<2x40x64xi32, #tpu.memory_space<vmem>>, %arg9: memref<4x64x128xf32, #tpu.memory_space<vmem>>, %arg10: memref<10368x128xf32, #tpu.memory_space<vmem_shared>>, %arg11: memref<!tpu.dma_semaphore, #tpu.memory_space<semaphore_mem>>, %arg12: memref<!tpu.dma_semaphore, #tpu.memory_space<semaphore_mem>>, %arg13: memref<!tpu.dma_semaphore, #tpu.memory_space<semaphore_mem>>, %arg14: memref<!tpu.dma_semaphore, #tpu.memory_space<semaphore_mem>>, %arg15: memref<!tpu.dma_semaphore, #tpu.memory_space<semaphore_mem>>, %arg16: memref<!tpu.dma_semaphore, #tpu.memory_space<semaphore_mem>>, %arg17: memref<!tpu.dma_semaphore, #tpu.memory_space<semaphore_mem>>, %arg18: memref<!tpu.dma_semaphore, #tpu.memory_space<semaphore_mem>>, %arg19: memref<!tpu.dma_semaphore, #tpu.memory_space<semaphore_mem>>) attributes {dimension_semantics = [#tpu.dimension_semantics<core_parallel>, #tpu.dimension_semantics<subcore_parallel>], iteration_bounds = array<i64: 2, 16>, scalar_prefetch = 0 : i64, scratch_operands = 13 : i64, tpu.core_type = #tpu.core_type<sc_vector_subcore>, window_params = [{transform_indices = #map}, {transform_indices = #map1}, {transform_indices = #map1}, {transform_indices = #map}, {transform_indices = #map1}]} {
    %mul3A = arith.constant 16 : i32
    %mul3A_0 = arith.muli %arg0, %mul3A : i32
    %add3A = arith.addi %mul3A_0, %arg1 : i32
    %mul3A_1 = arith.constant 648 : i32
    %mul3A_2 = arith.muli %arg1, %mul3A_1 : i32
    "tpu.region"() ({
      %run_scoped3A = tpu.sem_alloc : memref<!tpu.dma_semaphore, #tpu.memory_space<semaphore_mem>>
      %dma_start3A_133 = arith.constant 0 : i32
      %dma_start3A_134 = tpu.memref_slice %arg10[%mul3A_2, %dma_start3A_133] : memref<10368x128xf32, #tpu.memory_space<vmem_shared>> -> memref<648x128xf32, #tpu.memory_space<vmem_shared>>
      tpu.enqueue_dma source(%arg5 : memref<648x128xf32, #tpu.memory_space<hbm>>) target(%dma_start3A_134 : memref<648x128xf32, #tpu.memory_space<vmem_shared>>) target_semaphore(%run_scoped3A : memref<!tpu.dma_semaphore, #tpu.memory_space<semaphore_mem>>)
      %dma_wait3A_135 = arith.constant 0 : i32
      %dma_wait3A_136 = tpu.memref_slice %arg10[%mul3A_2, %dma_wait3A_135] : memref<10368x128xf32, #tpu.memory_space<vmem_shared>> -> memref<648x128xf32, #tpu.memory_space<vmem_shared>>
      tpu.wait_dma2 semaphore(%run_scoped3A : memref<!tpu.dma_semaphore, #tpu.memory_space<semaphore_mem>>) src(%arg5 : memref<648x128xf32, #tpu.memory_space<hbm>>) dst(%dma_wait3A_136 : memref<648x128xf32, #tpu.memory_space<vmem_shared>>)
      tpu.yield
    }) : () -> ()
    %barrier3A = arith.constant 0 : index
    tpu.barrier barrier_id(%barrier3A)
    %dma_start3A = arith.constant 0 : i32
    %dma_start3A_3 = arith.constant 0 : i32
    %dma_start3A_4 = arith.constant 0 : i32
    %dma_start3A_5 = tpu.memref_slice %arg7[%dma_start3A, %dma_start3A_3, %dma_start3A_4] : memref<2x40x64xi32, #tpu.memory_space<vmem>> -> memref<1x40x64xi32, #tpu.memory_space<vmem>>
    %dma_start3A_6 = tpu.memref_squeeze %dma_start3A_5 : memref<1x40x64xi32, #tpu.memory_space<vmem>> -> memref<40x64xi32, #tpu.memory_space<vmem>>
    %dma_start3A_7 = arith.constant 0 : i32
    %dma_start3A_8 = arith.constant 0 : i32
    %dma_start3A_9 = tpu.memref_slice %arg3[%add3A, %dma_start3A_7, %dma_start3A_8] : memref<32x400x64xi32, #tpu.memory_space<hbm>> -> memref<1x40x64xi32, #tpu.memory_space<hbm>>
    %dma_start3A_10 = tpu.memref_squeeze %dma_start3A_9 : memref<1x40x64xi32, #tpu.memory_space<hbm>> -> memref<40x64xi32, #tpu.memory_space<hbm>>
    %dma_start3A_11 = arith.constant 0 : i32
    %dma_start3A_12 = arith.constant 0 : i32
    %dma_start3A_13 = tpu.memref_slice %arg7[%dma_start3A, %dma_start3A_11, %dma_start3A_12] : memref<2x40x64xi32, #tpu.memory_space<vmem>> -> memref<1x40x64xi32, #tpu.memory_space<vmem>>
    %dma_start3A_14 = tpu.memref_squeeze %dma_start3A_13 : memref<1x40x64xi32, #tpu.memory_space<vmem>> -> memref<40x64xi32, #tpu.memory_space<vmem>>
    %dma_start3A_15 = arith.constant 0 : i32
    %dma_start3A_16 = arith.constant 0 : i32
    %dma_start3A_17 = tpu.memref_slice %arg3[%add3A, %dma_start3A_15, %dma_start3A_16] : memref<32x400x64xi32, #tpu.memory_space<hbm>> -> memref<1x40x64xi32, #tpu.memory_space<hbm>>
    %dma_start3A_18 = tpu.memref_squeeze %dma_start3A_17 : memref<1x40x64xi32, #tpu.memory_space<hbm>> -> memref<40x64xi32, #tpu.memory_space<hbm>>
    tpu.enqueue_dma source(%dma_start3A_18 : memref<40x64xi32, #tpu.memory_space<hbm>>) target(%dma_start3A_14 : memref<40x64xi32, #tpu.memory_space<vmem>>) target_semaphore(%arg19 : memref<!tpu.dma_semaphore, #tpu.memory_space<semaphore_mem>>)
    %dma_start3A_19 = arith.constant 0 : i32
    %dma_start3A_20 = arith.constant 0 : i32
    %dma_start3A_21 = arith.constant 0 : i32
    %dma_start3A_22 = tpu.memref_slice %arg8[%dma_start3A_19, %dma_start3A_20, %dma_start3A_21] : memref<2x40x64xi32, #tpu.memory_space<vmem>> -> memref<1x40x64xi32, #tpu.memory_space<vmem>>
    %dma_start3A_23 = tpu.memref_squeeze %dma_start3A_22 : memref<1x40x64xi32, #tpu.memory_space<vmem>> -> memref<40x64xi32, #tpu.memory_space<vmem>>
    %dma_start3A_24 = arith.constant 0 : i32
    %dma_start3A_25 = arith.constant 0 : i32
    %dma_start3A_26 = tpu.memref_slice %arg4[%add3A, %dma_start3A_24, %dma_start3A_25] : memref<32x400x64xi32, #tpu.memory_space<hbm>> -> memref<1x40x64xi32, #tpu.memory_space<hbm>>
    %dma_start3A_27 = tpu.memref_squeeze %dma_start3A_26 : memref<1x40x64xi32, #tpu.memory_space<hbm>> -> memref<40x64xi32, #tpu.memory_space<hbm>>
    %dma_start3A_28 = arith.constant 0 : i32
    %dma_start3A_29 = arith.constant 0 : i32
    %dma_start3A_30 = tpu.memref_slice %arg8[%dma_start3A_19, %dma_start3A_28, %dma_start3A_29] : memref<2x40x64xi32, #tpu.memory_space<vmem>> -> memref<1x40x64xi32, #tpu.memory_space<vmem>>
    %dma_start3A_31 = tpu.memref_squeeze %dma_start3A_30 : memref<1x40x64xi32, #tpu.memory_space<vmem>> -> memref<40x64xi32, #tpu.memory_space<vmem>>
    %dma_start3A_32 = arith.constant 0 : i32
    %dma_start3A_33 = arith.constant 0 : i32
    %dma_start3A_34 = tpu.memref_slice %arg4[%add3A, %dma_start3A_32, %dma_start3A_33] : memref<32x400x64xi32, #tpu.memory_space<hbm>> -> memref<1x40x64xi32, #tpu.memory_space<hbm>>
    %dma_start3A_35 = tpu.memref_squeeze %dma_start3A_34 : memref<1x40x64xi32, #tpu.memory_space<hbm>> -> memref<40x64xi32, #tpu.memory_space<hbm>>
    tpu.enqueue_dma source(%dma_start3A_35 : memref<40x64xi32, #tpu.memory_space<hbm>>) target(%dma_start3A_31 : memref<40x64xi32, #tpu.memory_space<vmem>>) target_semaphore(%arg19 : memref<!tpu.dma_semaphore, #tpu.memory_space<semaphore_mem>>)
    %dma_wait3A = arith.constant 0 : i32
    %dma_wait3A_36 = arith.constant 0 : i32
    %dma_wait3A_37 = arith.constant 0 : i32
    %dma_wait3A_38 = tpu.memref_slice %arg7[%dma_wait3A, %dma_wait3A_36, %dma_wait3A_37] : memref<2x40x64xi32, #tpu.memory_space<vmem>> -> memref<1x40x64xi32, #tpu.memory_space<vmem>>
    %dma_wait3A_39 = tpu.memref_squeeze %dma_wait3A_38 : memref<1x40x64xi32, #tpu.memory_space<vmem>> -> memref<40x64xi32, #tpu.memory_space<vmem>>
    %dma_wait3A_40 = arith.constant 0 : i32
    %dma_wait3A_41 = arith.constant 0 : i32
    %dma_wait3A_42 = tpu.memref_slice %arg3[%add3A, %dma_wait3A_40, %dma_wait3A_41] : memref<32x400x64xi32, #tpu.memory_space<hbm>> -> memref<1x40x64xi32, #tpu.memory_space<hbm>>
    %dma_wait3A_43 = tpu.memref_squeeze %dma_wait3A_42 : memref<1x40x64xi32, #tpu.memory_space<hbm>> -> memref<40x64xi32, #tpu.memory_space<hbm>>
    %dma_wait3A_44 = arith.constant 0 : i32
    %dma_wait3A_45 = arith.constant 0 : i32
    %dma_wait3A_46 = tpu.memref_slice %arg7[%dma_wait3A, %dma_wait3A_44, %dma_wait3A_45] : memref<2x40x64xi32, #tpu.memory_space<vmem>> -> memref<1x40x64xi32, #tpu.memory_space<vmem>>
    %dma_wait3A_47 = tpu.memref_squeeze %dma_wait3A_46 : memref<1x40x64xi32, #tpu.memory_space<vmem>> -> memref<40x64xi32, #tpu.memory_space<vmem>>
    %dma_wait3A_48 = arith.constant 0 : i32
    %dma_wait3A_49 = arith.constant 0 : i32
    %dma_wait3A_50 = tpu.memref_slice %arg3[%add3A, %dma_wait3A_48, %dma_wait3A_49] : memref<32x400x64xi32, #tpu.memory_space<hbm>> -> memref<1x40x64xi32, #tpu.memory_space<hbm>>
    %dma_wait3A_51 = tpu.memref_squeeze %dma_wait3A_50 : memref<1x40x64xi32, #tpu.memory_space<hbm>> -> memref<40x64xi32, #tpu.memory_space<hbm>>
    tpu.wait_dma2 semaphore(%arg19 : memref<!tpu.dma_semaphore, #tpu.memory_space<semaphore_mem>>) src(%dma_wait3A_51 : memref<40x64xi32, #tpu.memory_space<hbm>>) dst(%dma_wait3A_47 : memref<40x64xi32, #tpu.memory_space<vmem>>)
    %dma_wait3A_52 = arith.constant 0 : i32
    %dma_wait3A_53 = arith.constant 0 : i32
    %dma_wait3A_54 = arith.constant 0 : i32
    %dma_wait3A_55 = tpu.memref_slice %arg8[%dma_wait3A_52, %dma_wait3A_53, %dma_wait3A_54] : memref<2x40x64xi32, #tpu.memory_space<vmem>> -> memref<1x40x64xi32, #tpu.memory_space<vmem>>
    %dma_wait3A_56 = tpu.memref_squeeze %dma_wait3A_55 : memref<1x40x64xi32, #tpu.memory_space<vmem>> -> memref<40x64xi32, #tpu.memory_space<vmem>>
    %dma_wait3A_57 = arith.constant 0 : i32
    %dma_wait3A_58 = arith.constant 0 : i32
    %dma_wait3A_59 = tpu.memref_slice %arg4[%add3A, %dma_wait3A_57, %dma_wait3A_58] : memref<32x400x64xi32, #tpu.memory_space<hbm>> -> memref<1x40x64xi32, #tpu.memory_space<hbm>>
    %dma_wait3A_60 = tpu.memref_squeeze %dma_wait3A_59 : memref<1x40x64xi32, #tpu.memory_space<hbm>> -> memref<40x64xi32, #tpu.memory_space<hbm>>
    %dma_wait3A_61 = arith.constant 0 : i32
    %dma_wait3A_62 = arith.constant 0 : i32
    %dma_wait3A_63 = tpu.memref_slice %arg8[%dma_wait3A_52, %dma_wait3A_61, %dma_wait3A_62] : memref<2x40x64xi32, #tpu.memory_space<vmem>> -> memref<1x40x64xi32, #tpu.memory_space<vmem>>
    %dma_wait3A_64 = tpu.memref_squeeze %dma_wait3A_63 : memref<1x40x64xi32, #tpu.memory_space<vmem>> -> memref<40x64xi32, #tpu.memory_space<vmem>>
    %dma_wait3A_65 = arith.constant 0 : i32
    %dma_wait3A_66 = arith.constant 0 : i32
    %dma_wait3A_67 = tpu.memref_slice %arg4[%add3A, %dma_wait3A_65, %dma_wait3A_66] : memref<32x400x64xi32, #tpu.memory_space<hbm>> -> memref<1x40x64xi32, #tpu.memory_space<hbm>>
    %dma_wait3A_68 = tpu.memref_squeeze %dma_wait3A_67 : memref<1x40x64xi32, #tpu.memory_space<hbm>> -> memref<40x64xi32, #tpu.memory_space<hbm>>
    tpu.wait_dma2 semaphore(%arg19 : memref<!tpu.dma_semaphore, #tpu.memory_space<semaphore_mem>>) src(%dma_wait3A_68 : memref<40x64xi32, #tpu.memory_space<hbm>>) dst(%dma_wait3A_64 : memref<40x64xi32, #tpu.memory_space<vmem>>)
    %scan3A = arith.constant 0 : i32
    %scan3A_69 = arith.constant 0 : i32
    %scan3A_70 = arith.constant 40 : i32
    %scan3A_71 = arith.addi %scan3A_69, %scan3A_70 : i32
    %scan3A_72 = arith.constant 1 : i32
    scf.for %scan3A_133 = %scan3A_69 to %scan3A_71 step %scan3A_72  : i32 {
      %get3A = arith.constant 0 : i32
      %get3A_134 = arith.index_cast %get3A : i32 to index
      %get3A_135 = arith.index_cast %scan3A_133 : i32 to index
      %get3A_136 = arith.constant 0 : index
      %get3A_137 = tpu.vector_load %arg7[%get3A_134, %get3A_135, %get3A_136] {strides = array<i32>} : memref<2x40x64xi32, #tpu.memory_space<vmem>>, vector<1x1x16xi32>,
      %get3A_138 = vector.shape_cast %get3A_137 : vector<1x1x16xi32> to vector<16xi32>
      %lt3A = arith.constant 10000 : i32
      %lt3A_139 = vector.broadcast %lt3A : i32 to vector<16xi32>
      %lt3A_140 = arith.cmpi slt, %get3A_138, %lt3A_139 : vector<16xi32>
      %and3A = arith.constant 2047 : i32
      %and3A_141 = vector.broadcast %and3A : i32 to vector<16xi32>
      %and3A_142 = arith.andi %get3A_138, %and3A_141 : vector<16xi32>
      %add3A_143 = arith.constant 50000 : i32
      %add3A_144 = vector.broadcast %add3A_143 : i32 to vector<16xi32>
      %add3A_145 = arith.addi %add3A_144, %and3A_142 : vector<16xi32>
      %select_n3A = arith.select %lt3A_140, %add3A_145, %get3A_138 : vector<16xi1>, vector<16xi32>
      %swap3A = arith.constant 0 : i32
      %swap3A_146 = arith.index_cast %swap3A : i32 to index
      %swap3A_147 = arith.index_cast %scan3A_133 : i32 to index
      %swap3A_148 = arith.constant 0 : index
      %swap3A_149 = tpu.vector_load %arg7[%swap3A_146, %swap3A_147, %swap3A_148] {strides = array<i32>} : memref<2x40x64xi32, #tpu.memory_space<vmem>>, vector<1x1x16xi32>,
      %swap3A_150 = vector.shape_cast %swap3A_149 : vector<1x1x16xi32> to vector<16xi32>
      %swap3A_151 = vector.shape_cast %select_n3A : vector<16xi32> to vector<1x1x16xi32>
      tpu.vector_store %arg7[%swap3A_146, %swap3A_147, %swap3A_148], %swap3A_151 {strides = array<i32>} : memref<2x40x64xi32, #tpu.memory_space<vmem>>, vector<1x1x16xi32>,
      %get3A_152 = arith.constant 0 : i32
      %get3A_153 = arith.index_cast %get3A_152 : i32 to index
      %get3A_154 = arith.index_cast %scan3A_133 : i32 to index
      %get3A_155 = arith.constant 16 : index
      %get3A_156 = tpu.vector_load %arg7[%get3A_153, %get3A_154, %get3A_155] {strides = array<i32>} : memref<2x40x64xi32, #tpu.memory_space<vmem>>, vector<1x1x16xi32>,
      %get3A_157 = vector.shape_cast %get3A_156 : vector<1x1x16xi32> to vector<16xi32>
      %lt3A_158 = arith.constant 10000 : i32
      %lt3A_159 = vector.broadcast %lt3A_158 : i32 to vector<16xi32>
      %lt3A_160 = arith.cmpi slt, %get3A_157, %lt3A_159 : vector<16xi32>
      %and3A_161 = arith.constant 2047 : i32
      %and3A_162 = vector.broadcast %and3A_161 : i32 to vector<16xi32>
      %and3A_163 = arith.andi %get3A_157, %and3A_162 : vector<16xi32>
      %add3A_164 = arith.constant 50000 : i32
      %add3A_165 = vector.broadcast %add3A_164 : i32 to vector<16xi32>
      %add3A_166 = arith.addi %add3A_165, %and3A_163 : vector<16xi32>
      %select_n3A_167 = arith.select %lt3A_160, %add3A_166, %get3A_157 : vector<16xi1>, vector<16xi32>
      %swap3A_168 = arith.constant 0 : i32
      %swap3A_169 = arith.index_cast %swap3A_168 : i32 to index
      %swap3A_170 = arith.index_cast %scan3A_133 : i32 to index
      %swap3A_171 = arith.constant 16 : index
      %swap3A_172 = tpu.vector_load %arg7[%swap3A_169, %swap3A_170, %swap3A_171] {strides = array<i32>} : memref<2x40x64xi32, #tpu.memory_space<vmem>>, vector<1x1x16xi32>,
      %swap3A_173 = vector.shape_cast %swap3A_172 : vector<1x1x16xi32> to vector<16xi32>
      %swap3A_174 = vector.shape_cast %select_n3A_167 : vector<16xi32> to vector<1x1x16xi32>
      tpu.vector_store %arg7[%swap3A_169, %swap3A_170, %swap3A_171], %swap3A_174 {strides = array<i32>} : memref<2x40x64xi32, #tpu.memory_space<vmem>>, vector<1x1x16xi32>,
      %get3A_175 = arith.constant 0 : i32
      %get3A_176 = arith.index_cast %get3A_175 : i32 to index
      %get3A_177 = arith.index_cast %scan3A_133 : i32 to index
      %get3A_178 = arith.constant 32 : index
      %get3A_179 = tpu.vector_load %arg7[%get3A_176, %get3A_177, %get3A_178] {strides = array<i32>} : memref<2x40x64xi32, #tpu.memory_space<vmem>>, vector<1x1x16xi32>,
      %get3A_180 = vector.shape_cast %get3A_179 : vector<1x1x16xi32> to vector<16xi32>
      %lt3A_181 = arith.constant 10000 : i32
      %lt3A_182 = vector.broadcast %lt3A_181 : i32 to vector<16xi32>
      %lt3A_183 = arith.cmpi slt, %get3A_180, %lt3A_182 : vector<16xi32>
      %and3A_184 = arith.constant 2047 : i32
      %and3A_185 = vector.broadcast %and3A_184 : i32 to vector<16xi32>
      %and3A_186 = arith.andi %get3A_180, %and3A_185 : vector<16xi32>
      %add3A_187 = arith.constant 50000 : i32
      %add3A_188 = vector.broadcast %add3A_187 : i32 to vector<16xi32>
      %add3A_189 = arith.addi %add3A_188, %and3A_186 : vector<16xi32>
      %select_n3A_190 = arith.select %lt3A_183, %add3A_189, %get3A_180 : vector<16xi1>, vector<16xi32>
      %swap3A_191 = arith.constant 0 : i32
      %swap3A_192 = arith.index_cast %swap3A_191 : i32 to index
      %swap3A_193 = arith.index_cast %scan3A_133 : i32 to index
      %swap3A_194 = arith.constant 32 : index
      %swap3A_195 = tpu.vector_load %arg7[%swap3A_192, %swap3A_193, %swap3A_194] {strides = array<i32>} : memref<2x40x64xi32, #tpu.memory_space<vmem>>, vector<1x1x16xi32>,
      %swap3A_196 = vector.shape_cast %swap3A_195 : vector<1x1x16xi32> to vector<16xi32>
      %swap3A_197 = vector.shape_cast %select_n3A_190 : vector<16xi32> to vector<1x1x16xi32>
      tpu.vector_store %arg7[%swap3A_192, %swap3A_193, %swap3A_194], %swap3A_197 {strides = array<i32>} : memref<2x40x64xi32, #tpu.memory_space<vmem>>, vector<1x1x16xi32>,
      %get3A_198 = arith.constant 0 : i32
      %get3A_199 = arith.index_cast %get3A_198 : i32 to index
      %get3A_200 = arith.index_cast %scan3A_133 : i32 to index
      %get3A_201 = arith.constant 48 : index
      %get3A_202 = tpu.vector_load %arg7[%get3A_199, %get3A_200, %get3A_201] {strides = array<i32>} : memref<2x40x64xi32, #tpu.memory_space<vmem>>, vector<1x1x16xi32>,
      %get3A_203 = vector.shape_cast %get3A_202 : vector<1x1x16xi32> to vector<16xi32>
      %lt3A_204 = arith.constant 10000 : i32
      %lt3A_205 = vector.broadcast %lt3A_204 : i32 to vector<16xi32>
      %lt3A_206 = arith.cmpi slt, %get3A_203, %lt3A_205 : vector<16xi32>
      %and3A_207 = arith.constant 2047 : i32
      %and3A_208 = vector.broadcast %and3A_207 : i32 to vector<16xi32>
      %and3A_209 = arith.andi %get3A_203, %and3A_208 : vector<16xi32>
      %add3A_210 = arith.constant 50000 : i32
      %add3A_211 = vector.broadcast %add3A_210 : i32 to vector<16xi32>
      %add3A_212 = arith.addi %add3A_211, %and3A_209 : vector<16xi32>
      %select_n3A_213 = arith.select %lt3A_206, %add3A_212, %get3A_203 : vector<16xi1>, vector<16xi32>
      %swap3A_214 = arith.constant 0 : i32
      %swap3A_215 = arith.index_cast %swap3A_214 : i32 to index
      %swap3A_216 = arith.index_cast %scan3A_133 : i32 to index
      %swap3A_217 = arith.constant 48 : index
      %swap3A_218 = tpu.vector_load %arg7[%swap3A_215, %swap3A_216, %swap3A_217] {strides = array<i32>} : memref<2x40x64xi32, #tpu.memory_space<vmem>>, vector<1x1x16xi32>,
      %swap3A_219 = vector.shape_cast %swap3A_218 : vector<1x1x16xi32> to vector<16xi32>
      %swap3A_220 = vector.shape_cast %select_n3A_213 : vector<16xi32> to vector<1x1x16xi32>
      tpu.vector_store %arg7[%swap3A_215, %swap3A_216, %swap3A_217], %swap3A_220 {strides = array<i32>} : memref<2x40x64xi32, #tpu.memory_space<vmem>>, vector<1x1x16xi32>,
    }
    %scan3A_73 = arith.constant 40 : i32
    %scan3A_74 = arith.constant 0 : i32
    %scan3A_75 = arith.constant 0 : i32
    %scan3A_76 = arith.constant 5 : i32
    %scan3A_77 = arith.addi %scan3A_75, %scan3A_76 : i32
    %scan3A_78 = arith.constant 1 : i32
    scf.for %scan3A_133 = %scan3A_75 to %scan3A_77 step %scan3A_78  : i32 {
      %mul3A_134 = arith.constant 2 : i32
      %mul3A_135 = arith.muli %mul3A_134, %scan3A_133 : i32
      %add3A_136 = arith.constant 0 : i32
      %add3A_137 = arith.addi %mul3A_135, %add3A_136 : i32
      %lt3A = arith.constant 9 : i32
      %lt3A_138 = arith.cmpi slt, %add3A_137, %lt3A : i32
      %add3A_139 = arith.constant 1 : i32
      %add3A_140 = arith.addi %add3A_137, %add3A_139 : i32
      %jit3A = arith.constant 0 : i32
      %select_n3A = arith.select %lt3A_138, %add3A_140, %jit3A : i32
      %mul3A_141 = arith.constant 40 : i32
      %mul3A_142 = arith.muli %select_n3A, %mul3A_141 : i32
      %dma_start3A_143 = arith.constant 1 : i32
      %dma_start3A_144 = arith.constant 0 : i32
      %dma_start3A_145 = arith.constant 0 : i32
      %dma_start3A_146 = tpu.memref_slice %arg7[%dma_start3A_143, %dma_start3A_144, %dma_start3A_145] : memref<2x40x64xi32, #tpu.memory_space<vmem>> -> memref<1x40x64xi32, #tpu.memory_space<vmem>>
      %dma_start3A_147 = tpu.memref_squeeze %dma_start3A_146 : memref<1x40x64xi32, #tpu.memory_space<vmem>> -> memref<40x64xi32, #tpu.memory_space<vmem>>
      %dma_start3A_148 = arith.constant 0 : i32
      %dma_start3A_149 = tpu.memref_slice %arg3[%add3A, %mul3A_142, %dma_start3A_148] : memref<32x400x64xi32, #tpu.memory_space<hbm>> -> memref<1x40x64xi32, #tpu.memory_space<hbm>>
      %dma_start3A_150 = tpu.memref_squeeze %dma_start3A_149 : memref<1x40x64xi32, #tpu.memory_space<hbm>> -> memref<40x64xi32, #tpu.memory_space<hbm>>
      %dma_start3A_151 = arith.constant 0 : i32
      %dma_start3A_152 = arith.constant 0 : i32
      %dma_start3A_153 = tpu.memref_slice %arg7[%dma_start3A_143, %dma_start3A_151, %dma_start3A_152] : memref<2x40x64xi32, #tpu.memory_space<vmem>> -> memref<1x40x64xi32, #tpu.memory_space<vmem>>
      %dma_start3A_154 = tpu.memref_squeeze %dma_start3A_153 : memref<1x40x64xi32, #tpu.memory_space<vmem>> -> memref<40x64xi32, #tpu.memory_space<vmem>>
      %dma_start3A_155 = arith.constant 0 : i32
      %dma_start3A_156 = tpu.memref_slice %arg3[%add3A, %mul3A_142, %dma_start3A_155] : memref<32x400x64xi32, #tpu.memory_space<hbm>> -> memref<1x40x64xi32, #tpu.memory_space<hbm>>
      %dma_start3A_157 = tpu.memref_squeeze %dma_start3A_156 : memref<1x40x64xi32, #tpu.memory_space<hbm>> -> memref<40x64xi32, #tpu.memory_space<hbm>>
      tpu.enqueue_dma source(%dma_start3A_157 : memref<40x64xi32, #tpu.memory_space<hbm>>) target(%dma_start3A_154 : memref<40x64xi32, #tpu.memory_space<vmem>>) target_semaphore(%arg19 : memref<!tpu.dma_semaphore, #tpu.memory_space<semaphore_mem>>)
      %mul3A_158 = arith.constant 40 : i32
      %mul3A_159 = arith.muli %select_n3A, %mul3A_158 : i32
      %dma_start3A_160 = arith.constant 1 : i32
      %dma_start3A_161 = arith.constant 0 : i32
      %dma_start3A_162 = arith.constant 0 : i32
      %dma_start3A_163 = tpu.memref_slice %arg8[%dma_start3A_160, %dma_start3A_161, %dma_start3A_162] : memref<2x40x64xi32, #tpu.memory_space<vmem>> -> memref<1x40x64xi32, #tpu.memory_space<vmem>>
      %dma_start3A_164 = tpu.memref_squeeze %dma_start3A_163 : memref<1x40x64xi32, #tpu.memory_space<vmem>> -> memref<40x64xi32, #tpu.memory_space<vmem>>
      %dma_start3A_165 = arith.constant 0 : i32
      %dma_start3A_166 = tpu.memref_slice %arg4[%add3A, %mul3A_159, %dma_start3A_165] : memref<32x400x64xi32, #tpu.memory_space<hbm>> -> memref<1x40x64xi32, #tpu.memory_space<hbm>>
      %dma_start3A_167 = tpu.memref_squeeze %dma_start3A_166 : memref<1x40x64xi32, #tpu.memory_space<hbm>> -> memref<40x64xi32, #tpu.memory_space<hbm>>
      %dma_start3A_168 = arith.constant 0 : i32
      %dma_start3A_169 = arith.constant 0 : i32
      %dma_start3A_170 = tpu.memref_slice %arg8[%dma_start3A_160, %dma_start3A_168, %dma_start3A_169] : memref<2x40x64xi32, #tpu.memory_space<vmem>> -> memref<1x40x64xi32, #tpu.memory_space<vmem>>
      %dma_start3A_171 = tpu.memref_squeeze %dma_start3A_170 : memref<1x40x64xi32, #tpu.memory_space<vmem>> -> memref<40x64xi32, #tpu.memory_space<vmem>>
      %dma_start3A_172 = arith.constant 0 : i32
      %dma_start3A_173 = tpu.memref_slice %arg4[%add3A, %mul3A_159, %dma_start3A_172] : memref<32x400x64xi32, #tpu.memory_space<hbm>> -> memref<1x40x64xi32, #tpu.memory_space<hbm>>
      %dma_start3A_174 = tpu.memref_squeeze %dma_start3A_173 : memref<1x40x64xi32, #tpu.memory_space<hbm>> -> memref<40x64xi32, #tpu.memory_space<hbm>>
      tpu.enqueue_dma source(%dma_start3A_174 : memref<40x64xi32, #tpu.memory_space<hbm>>) target(%dma_start3A_171 : memref<40x64xi32, #tpu.memory_space<vmem>>) target_semaphore(%arg19 : memref<!tpu.dma_semaphore, #tpu.memory_space<semaphore_mem>>)
      %scan3A_175 = arith.constant 0 : i32
      %scan3A_176 = arith.constant 0 : i32
      %scan3A_177 = arith.constant 10 : i32
      %scan3A_178 = arith.addi %scan3A_176, %scan3A_177 : i32
      %scan3A_179 = arith.constant 1 : i32
      scf.for %scan3A_303 = %scan3A_176 to %scan3A_178 step %scan3A_179  : i32 {
        %gt3A = arith.constant 0 : i32
        %gt3A_304 = arith.cmpi sgt, %add3A_137, %gt3A : i32
        %gt3A_305 = arith.constant 0 : i32
        %gt3A_306 = arith.cmpi sgt, %scan3A_303, %gt3A_305 : i32
        %or3A = arith.ori %gt3A_304, %gt3A_306 : i1
        %convert_element_type3A = arith.extui %or3A : i1 to i32
        %cond3A = arith.constant 0 : i32
        %cond3A_307 = arith.cmpi ne, %convert_element_type3A, %cond3A : i32
        scf.if %cond3A_307 {
          %dma_wait3A_508 = arith.constant 0 : i32
          %dma_wait3A_509 = arith.constant 0 : i32
          %dma_wait3A_510 = arith.constant 0 : i32
          %dma_wait3A_511 = arith.constant 0 : i32
          %dma_wait3A_512 = arith.constant 0 : i32
          %dma_wait3A_513 = tpu.memref_slice %arg9[%dma_wait3A_508, %dma_wait3A_511, %dma_wait3A_512] : memref<4x64x128xf32, #tpu.memory_space<vmem>> -> memref<1x64x128xf32, #tpu.memory_space<vmem>>
          %dma_wait3A_514 = tpu.memref_squeeze %dma_wait3A_513 : memref<1x64x128xf32, #tpu.memory_space<vmem>> -> memref<64x128xf32, #tpu.memory_space<vmem>>
          %dma_wait3A_515 = arith.constant 0 : i32
          %dma_wait3A_516 = tpu.memref_slice %arg8[%dma_wait3A_509, %dma_wait3A_510, %dma_wait3A_515] : memref<2x40x64xi32, #tpu.memory_space<vmem>> -> memref<1x1x64xi32, #tpu.memory_space<vmem>>
          %dma_wait3A_517 = tpu.memref_squeeze %dma_wait3A_516 : memref<1x1x64xi32, #tpu.memory_space<vmem>> -> memref<64xi32, #tpu.memory_space<vmem>>
          %dma_wait3A_518 = arith.constant 0 : i32
          %dma_wait3A_519 = arith.constant 0 : i32
          %dma_wait3A_520 = tpu.memref_slice %arg10[%dma_wait3A_518, %dma_wait3A_519] : memref<10368x128xf32, #tpu.memory_space<vmem_shared>> -> memref<10368x128xf32, #tpu.memory_space<vmem_shared>>
          tpu.wait_indirect_dma semaphore(%arg15 : memref<!tpu.dma_semaphore, #tpu.memory_space<semaphore_mem>>) src(%dma_wait3A_514 : memref<64x128xf32, #tpu.memory_space<vmem>>) dst(%dma_wait3A_520 : memref<10368x128xf32, #tpu.memory_space<vmem_shared>>)
        } else {
        }
        %mul3A_308 = arith.constant 4 : i32
        %mul3A_309 = arith.muli %scan3A_303, %mul3A_308 : i32
        %add3A_310 = arith.constant 0 : i32
        %add3A_311 = arith.addi %mul3A_309, %add3A_310 : i32
        %dma_start3A_312 = arith.constant 0 : i32
        %dma_start3A_313 = arith.constant 0 : i32
        %dma_start3A_314 = arith.constant 0 : i32
        %dma_start3A_315 = arith.constant 0 : i32
        %dma_start3A_316 = tpu.memref_slice %arg9[%dma_start3A_313, %dma_start3A_314, %dma_start3A_315] : memref<4x64x128xf32, #tpu.memory_space<vmem>> -> memref<1x64x128xf32, #tpu.memory_space<vmem>>
        %dma_start3A_317 = tpu.memref_squeeze %dma_start3A_316 : memref<1x64x128xf32, #tpu.memory_space<vmem>> -> memref<64x128xf32, #tpu.memory_space<vmem>>
        %dma_start3A_318 = arith.constant 0 : i32
        %dma_start3A_319 = tpu.memref_slice %arg7[%dma_start3A_312, %add3A_311, %dma_start3A_318] : memref<2x40x64xi32, #tpu.memory_space<vmem>> -> memref<1x1x64xi32, #tpu.memory_space<vmem>>
        %dma_start3A_320 = tpu.memref_squeeze %dma_start3A_319 : memref<1x1x64xi32, #tpu.memory_space<vmem>> -> memref<64xi32, #tpu.memory_space<vmem>>
        %dma_start3A_321 = arith.constant 0 : i32
        %dma_start3A_322 = arith.constant 0 : i32
        %dma_start3A_323 = tpu.memref_slice %arg2[%dma_start3A_321, %dma_start3A_322] : memref<52048x128xf32, #tpu.memory_space<hbm>> -> memref<52048x128xf32, #tpu.memory_space<hbm>>
        tpu.enqueue_indirect_dma source(%dma_start3A_323 : memref<52048x128xf32, #tpu.memory_space<hbm>>) target(%dma_start3A_317 : memref<64x128xf32, #tpu.memory_space<vmem>>) offsets(%dma_start3A_320 : memref<64xi32, #tpu.memory_space<vmem>>) semaphore(%arg11 : memref<!tpu.dma_semaphore, #tpu.memory_space<semaphore_mem>>)
        %gt3A_324 = arith.constant 0 : i32
        %gt3A_325 = arith.cmpi sgt, %add3A_137, %gt3A_324 : i32
        %gt3A_326 = arith.constant 0 : i32
        %gt3A_327 = arith.cmpi sgt, %scan3A_303, %gt3A_326 : i32
        %or3A_328 = arith.ori %gt3A_325, %gt3A_327 : i1
        %convert_element_type3A_329 = arith.extui %or3A_328 : i1 to i32
        %cond3A_330 = arith.constant 0 : i32
        %cond3A_331 = arith.cmpi ne, %convert_element_type3A_329, %cond3A_330 : i32
        scf.if %cond3A_331 {
          %dma_wait3A_508 = arith.constant 1 : i32
          %dma_wait3A_509 = arith.constant 0 : i32
          %dma_wait3A_510 = arith.constant 1 : i32
          %dma_wait3A_511 = arith.constant 0 : i32
          %dma_wait3A_512 = arith.constant 0 : i32
          %dma_wait3A_513 = tpu.memref_slice %arg9[%dma_wait3A_508, %dma_wait3A_511, %dma_wait3A_512] : memref<4x64x128xf32, #tpu.memory_space<vmem>> -> memref<1x64x128xf32, #tpu.memory_space<vmem>>
          %dma_wait3A_514 = tpu.memref_squeeze %dma_wait3A_513 : memref<1x64x128xf32, #tpu.memory_space<vmem>> -> memref<64x128xf32, #tpu.memory_space<vmem>>
          %dma_wait3A_515 = arith.constant 0 : i32
          %dma_wait3A_516 = tpu.memref_slice %arg8[%dma_wait3A_509, %dma_wait3A_510, %dma_wait3A_515] : memref<2x40x64xi32, #tpu.memory_space<vmem>> -> memref<1x1x64xi32, #tpu.memory_space<vmem>>
          %dma_wait3A_517 = tpu.memref_squeeze %dma_wait3A_516 : memref<1x1x64xi32, #tpu.memory_space<vmem>> -> memref<64xi32, #tpu.memory_space<vmem>>
          %dma_wait3A_518 = arith.constant 0 : i32
          %dma_wait3A_519 = arith.constant 0 : i32
          %dma_wait3A_520 = tpu.memref_slice %arg10[%dma_wait3A_518, %dma_wait3A_519] : memref<10368x128xf32, #tpu.memory_space<vmem_shared>> -> memref<10368x128xf32, #tpu.memory_space<vmem_shared>>
          tpu.wait_indirect_dma semaphore(%arg16 : memref<!tpu.dma_semaphore, #tpu.memory_space<semaphore_mem>>) src(%dma_wait3A_514 : memref<64x128xf32, #tpu.memory_space<vmem>>) dst(%dma_wait3A_520 : memref<10368x128xf32, #tpu.memory_space<vmem_shared>>)
        } else {
        }
        %mul3A_332 = arith.constant 4 : i32
        %mul3A_333 = arith.muli %scan3A_303, %mul3A_332 : i32
        %add3A_334 = arith.constant 1 : i32
        %add3A_335 = arith.addi %mul3A_333, %add3A_334 : i32
        %dma_start3A_336 = arith.constant 0 : i32
        %dma_start3A_337 = arith.constant 1 : i32
        %dma_start3A_338 = arith.constant 0 : i32
        %dma_start3A_339 = arith.constant 0 : i32
        %dma_start3A_340 = tpu.memref_slice %arg9[%dma_start3A_337, %dma_start3A_338, %dma_start3A_339] : memref<4x64x128xf32, #tpu.memory_space<vmem>> -> memref<1x64x128xf32, #tpu.memory_space<vmem>>
        %dma_start3A_341 = tpu.memref_squeeze %dma_start3A_340 : memref<1x64x128xf32, #tpu.memory_space<vmem>> -> memref<64x128xf32, #tpu.memory_space<vmem>>
        %dma_start3A_342 = arith.constant 0 : i32
        %dma_start3A_343 = tpu.memref_slice %arg7[%dma_start3A_336, %add3A_335, %dma_start3A_342] : memref<2x40x64xi32, #tpu.memory_space<vmem>> -> memref<1x1x64xi32, #tpu.memory_space<vmem>>
        %dma_start3A_344 = tpu.memref_squeeze %dma_start3A_343 : memref<1x1x64xi32, #tpu.memory_space<vmem>> -> memref<64xi32, #tpu.memory_space<vmem>>
        %dma_start3A_345 = arith.constant 0 : i32
        %dma_start3A_346 = arith.constant 0 : i32
        %dma_start3A_347 = tpu.memref_slice %arg2[%dma_start3A_345, %dma_start3A_346] : memref<52048x128xf32, #tpu.memory_space<hbm>> -> memref<52048x128xf32, #tpu.memory_space<hbm>>
        tpu.enqueue_indirect_dma source(%dma_start3A_347 : memref<52048x128xf32, #tpu.memory_space<hbm>>) target(%dma_start3A_341 : memref<64x128xf32, #tpu.memory_space<vmem>>) offsets(%dma_start3A_344 : memref<64xi32, #tpu.memory_space<vmem>>) semaphore(%arg12 : memref<!tpu.dma_semaphore, #tpu.memory_space<semaphore_mem>>)
        %gt3A_348 = arith.constant 0 : i32
        %gt3A_349 = arith.cmpi sgt, %add3A_137, %gt3A_348 : i32
        %gt3A_350 = arith.constant 0 : i32
        %gt3A_351 = arith.cmpi sgt, %scan3A_303, %gt3A_350 : i32
        %or3A_352 = arith.ori %gt3A_349, %gt3A_351 : i1
        %convert_element_type3A_353 = arith.extui %or3A_352 : i1 to i32
        %cond3A_354 = arith.constant 0 : i32
        %cond3A_355 = arith.cmpi ne, %convert_element_type3A_353, %cond3A_354 : i32
        scf.if %cond3A_355 {
          %dma_wait3A_508 = arith.constant 2 : i32
          %dma_wait3A_509 = arith.constant 0 : i32
          %dma_wait3A_510 = arith.constant 2 : i32
          %dma_wait3A_511 = arith.constant 0 : i32
          %dma_wait3A_512 = arith.constant 0 : i32
          %dma_wait3A_513 = tpu.memref_slice %arg9[%dma_wait3A_508, %dma_wait3A_511, %dma_wait3A_512] : memref<4x64x128xf32, #tpu.memory_space<vmem>> -> memref<1x64x128xf32, #tpu.memory_space<vmem>>
          %dma_wait3A_514 = tpu.memref_squeeze %dma_wait3A_513 : memref<1x64x128xf32, #tpu.memory_space<vmem>> -> memref<64x128xf32, #tpu.memory_space<vmem>>
          %dma_wait3A_515 = arith.constant 0 : i32
          %dma_wait3A_516 = tpu.memref_slice %arg8[%dma_wait3A_509, %dma_wait3A_510, %dma_wait3A_515] : memref<2x40x64xi32, #tpu.memory_space<vmem>> -> memref<1x1x64xi32, #tpu.memory_space<vmem>>
          %dma_wait3A_517 = tpu.memref_squeeze %dma_wait3A_516 : memref<1x1x64xi32, #tpu.memory_space<vmem>> -> memref<64xi32, #tpu.memory_space<vmem>>
          %dma_wait3A_518 = arith.constant 0 : i32
          %dma_wait3A_519 = arith.constant 0 : i32
          %dma_wait3A_520 = tpu.memref_slice %arg10[%dma_wait3A_518, %dma_wait3A_519] : memref<10368x128xf32, #tpu.memory_space<vmem_shared>> -> memref<10368x128xf32, #tpu.memory_space<vmem_shared>>
          tpu.wait_indirect_dma semaphore(%arg17 : memref<!tpu.dma_semaphore, #tpu.memory_space<semaphore_mem>>) src(%dma_wait3A_514 : memref<64x128xf32, #tpu.memory_space<vmem>>) dst(%dma_wait3A_520 : memref<10368x128xf32, #tpu.memory_space<vmem_shared>>)
        } else {
        }
        %mul3A_356 = arith.constant 4 : i32
        %mul3A_357 = arith.muli %scan3A_303, %mul3A_356 : i32
        %add3A_358 = arith.constant 2 : i32
        %add3A_359 = arith.addi %mul3A_357, %add3A_358 : i32
        %dma_start3A_360 = arith.constant 0 : i32
        %dma_start3A_361 = arith.constant 2 : i32
        %dma_start3A_362 = arith.constant 0 : i32
        %dma_start3A_363 = arith.constant 0 : i32
        %dma_start3A_364 = tpu.memref_slice %arg9[%dma_start3A_361, %dma_start3A_362, %dma_start3A_363] : memref<4x64x128xf32, #tpu.memory_space<vmem>> -> memref<1x64x128xf32, #tpu.memory_space<vmem>>
        %dma_start3A_365 = tpu.memref_squeeze %dma_start3A_364 : memref<1x64x128xf32, #tpu.memory_space<vmem>> -> memref<64x128xf32, #tpu.memory_space<vmem>>
        %dma_start3A_366 = arith.constant 0 : i32
        %dma_start3A_367 = tpu.memref_slice %arg7[%dma_start3A_360, %add3A_359, %dma_start3A_366] : memref<2x40x64xi32, #tpu.memory_space<vmem>> -> memref<1x1x64xi32, #tpu.memory_space<vmem>>
        %dma_start3A_368 = tpu.memref_squeeze %dma_start3A_367 : memref<1x1x64xi32, #tpu.memory_space<vmem>> -> memref<64xi32, #tpu.memory_space<vmem>>
        %dma_start3A_369 = arith.constant 0 : i32
        %dma_start3A_370 = arith.constant 0 : i32
        %dma_start3A_371 = tpu.memref_slice %arg2[%dma_start3A_369, %dma_start3A_370] : memref<52048x128xf32, #tpu.memory_space<hbm>> -> memref<52048x128xf32, #tpu.memory_space<hbm>>
        tpu.enqueue_indirect_dma source(%dma_start3A_371 : memref<52048x128xf32, #tpu.memory_space<hbm>>) target(%dma_start3A_365 : memref<64x128xf32, #tpu.memory_space<vmem>>) offsets(%dma_start3A_368 : memref<64xi32, #tpu.memory_space<vmem>>) semaphore(%arg13 : memref<!tpu.dma_semaphore, #tpu.memory_space<semaphore_mem>>)
        %gt3A_372 = arith.constant 0 : i32
        %gt3A_373 = arith.cmpi sgt, %add3A_137, %gt3A_372 : i32
        %gt3A_374 = arith.constant 0 : i32
        %gt3A_375 = arith.cmpi sgt, %scan3A_303, %gt3A_374 : i32
        %or3A_376 = arith.ori %gt3A_373, %gt3A_375 : i1
        %convert_element_type3A_377 = arith.extui %or3A_376 : i1 to i32
        %cond3A_378 = arith.constant 0 : i32
        %cond3A_379 = arith.cmpi ne, %convert_element_type3A_377, %cond3A_378 : i32
        scf.if %cond3A_379 {
          %dma_wait3A_508 = arith.constant 3 : i32
          %dma_wait3A_509 = arith.constant 0 : i32
          %dma_wait3A_510 = arith.constant 3 : i32
          %dma_wait3A_511 = arith.constant 0 : i32
          %dma_wait3A_512 = arith.constant 0 : i32
          %dma_wait3A_513 = tpu.memref_slice %arg9[%dma_wait3A_508, %dma_wait3A_511, %dma_wait3A_512] : memref<4x64x128xf32, #tpu.memory_space<vmem>> -> memref<1x64x128xf32, #tpu.memory_space<vmem>>
          %dma_wait3A_514 = tpu.memref_squeeze %dma_wait3A_513 : memref<1x64x128xf32, #tpu.memory_space<vmem>> -> memref<64x128xf32, #tpu.memory_space<vmem>>
          %dma_wait3A_515 = arith.constant 0 : i32
          %dma_wait3A_516 = tpu.memref_slice %arg8[%dma_wait3A_509, %dma_wait3A_510, %dma_wait3A_515] : memref<2x40x64xi32, #tpu.memory_space<vmem>> -> memref<1x1x64xi32, #tpu.memory_space<vmem>>
          %dma_wait3A_517 = tpu.memref_squeeze %dma_wait3A_516 : memref<1x1x64xi32, #tpu.memory_space<vmem>> -> memref<64xi32, #tpu.memory_space<vmem>>
          %dma_wait3A_518 = arith.constant 0 : i32
          %dma_wait3A_519 = arith.constant 0 : i32
          %dma_wait3A_520 = tpu.memref_slice %arg10[%dma_wait3A_518, %dma_wait3A_519] : memref<10368x128xf32, #tpu.memory_space<vmem_shared>> -> memref<10368x128xf32, #tpu.memory_space<vmem_shared>>
          tpu.wait_indirect_dma semaphore(%arg18 : memref<!tpu.dma_semaphore, #tpu.memory_space<semaphore_mem>>) src(%dma_wait3A_514 : memref<64x128xf32, #tpu.memory_space<vmem>>) dst(%dma_wait3A_520 : memref<10368x128xf32, #tpu.memory_space<vmem_shared>>)
        } else {
        }
        %mul3A_380 = arith.constant 4 : i32
        %mul3A_381 = arith.muli %scan3A_303, %mul3A_380 : i32
        %add3A_382 = arith.constant 3 : i32
        %add3A_383 = arith.addi %mul3A_381, %add3A_382 : i32
        %dma_start3A_384 = arith.constant 0 : i32
        %dma_start3A_385 = arith.constant 3 : i32
        %dma_start3A_386 = arith.constant 0 : i32
        %dma_start3A_387 = arith.constant 0 : i32
        %dma_start3A_388 = tpu.memref_slice %arg9[%dma_start3A_385, %dma_start3A_386, %dma_start3A_387] : memref<4x64x128xf32, #tpu.memory_space<vmem>> -> memref<1x64x128xf32, #tpu.memory_space<vmem>>
        %dma_start3A_389 = tpu.memref_squeeze %dma_start3A_388 : memref<1x64x128xf32, #tpu.memory_space<vmem>> -> memref<64x128xf32, #tpu.memory_space<vmem>>
        %dma_start3A_390 = arith.constant 0 : i32
        %dma_start3A_391 = tpu.memref_slice %arg7[%dma_start3A_384, %add3A_383, %dma_start3A_390] : memref<2x40x64xi32, #tpu.memory_space<vmem>> -> memref<1x1x64xi32, #tpu.memory_space<vmem>>
        %dma_start3A_392 = tpu.memref_squeeze %dma_start3A_391 : memref<1x1x64xi32, #tpu.memory_space<vmem>> -> memref<64xi32, #tpu.memory_space<vmem>>
        %dma_start3A_393 = arith.constant 0 : i32
        %dma_start3A_394 = arith.constant 0 : i32
        %dma_start3A_395 = tpu.memref_slice %arg2[%dma_start3A_393, %dma_start3A_394] : memref<52048x128xf32, #tpu.memory_space<hbm>> -> memref<52048x128xf32, #tpu.memory_space<hbm>>
        tpu.enqueue_indirect_dma source(%dma_start3A_395 : memref<52048x128xf32, #tpu.memory_space<hbm>>) target(%dma_start3A_389 : memref<64x128xf32, #tpu.memory_space<vmem>>) offsets(%dma_start3A_392 : memref<64xi32, #tpu.memory_space<vmem>>) semaphore(%arg14 : memref<!tpu.dma_semaphore, #tpu.memory_space<semaphore_mem>>)
        %dma_wait3A_396 = arith.constant 0 : i32
        %dma_wait3A_397 = arith.constant 0 : i32
        %dma_wait3A_398 = arith.constant 0 : i32
        %dma_wait3A_399 = arith.constant 0 : i32
        %dma_wait3A_400 = tpu.memref_slice %arg9[%dma_wait3A_397, %dma_wait3A_398, %dma_wait3A_399] : memref<4x64x128xf32, #tpu.memory_space<vmem>> -> memref<1x64x128xf32, #tpu.memory_space<vmem>>
        %dma_wait3A_401 = tpu.memref_squeeze %dma_wait3A_400 : memref<1x64x128xf32, #tpu.memory_space<vmem>> -> memref<64x128xf32, #tpu.memory_space<vmem>>
        %dma_wait3A_402 = arith.constant 0 : i32
        %dma_wait3A_403 = tpu.memref_slice %arg7[%dma_wait3A_396, %add3A_311, %dma_wait3A_402] : memref<2x40x64xi32, #tpu.memory_space<vmem>> -> memref<1x1x64xi32, #tpu.memory_space<vmem>>
        %dma_wait3A_404 = tpu.memref_squeeze %dma_wait3A_403 : memref<1x1x64xi32, #tpu.memory_space<vmem>> -> memref<64xi32, #tpu.memory_space<vmem>>
        %dma_wait3A_405 = arith.constant 0 : i32
        %dma_wait3A_406 = arith.constant 0 : i32
        %dma_wait3A_407 = tpu.memref_slice %arg2[%dma_wait3A_405, %dma_wait3A_406] : memref<52048x128xf32, #tpu.memory_space<hbm>> -> memref<52048x128xf32, #tpu.memory_space<hbm>>
        tpu.wait_indirect_dma semaphore(%arg11 : memref<!tpu.dma_semaphore, #tpu.memory_space<semaphore_mem>>) src(%dma_wait3A_407 : memref<52048x128xf32, #tpu.memory_space<hbm>>) dst(%dma_wait3A_401 : memref<64x128xf32, #tpu.memory_space<vmem>>)
        %mul3A_408 = arith.constant 4 : i32
        %mul3A_409 = arith.muli %scan3A_303, %mul3A_408 : i32
        %add3A_410 = arith.constant 0 : i32
        %add3A_411 = arith.addi %mul3A_409, %add3A_410 : i32
        %dma_start3A_412 = arith.constant 0 : i32
        %dma_start3A_413 = arith.constant 0 : i32
        %dma_start3A_414 = arith.constant 0 : i32
        %dma_start3A_415 = arith.constant 0 : i32
        %dma_start3A_416 = tpu.memref_slice %arg9[%dma_start3A_412, %dma_start3A_414, %dma_start3A_415] : memref<4x64x128xf32, #tpu.memory_space<vmem>> -> memref<1x64x128xf32, #tpu.memory_space<vmem>>
        %dma_start3A_417 = tpu.memref_squeeze %dma_start3A_416 : memref<1x64x128xf32, #tpu.memory_space<vmem>> -> memref<64x128xf32, #tpu.memory_space<vmem>>
        %dma_start3A_418 = arith.constant 0 : i32
        %dma_start3A_419 = tpu.memref_slice %arg8[%dma_start3A_413, %add3A_411, %dma_start3A_418] : memref<2x40x64xi32, #tpu.memory_space<vmem>> -> memref<1x1x64xi32, #tpu.memory_space<vmem>>
        %dma_start3A_420 = tpu.memref_squeeze %dma_start3A_419 : memref<1x1x64xi32, #tpu.memory_space<vmem>> -> memref<64xi32, #tpu.memory_space<vmem>>
        %dma_start3A_421 = arith.constant 0 : i32
        %dma_start3A_422 = arith.constant 0 : i32
        %dma_start3A_423 = tpu.memref_slice %arg10[%dma_start3A_421, %dma_start3A_422] : memref<10368x128xf32, #tpu.memory_space<vmem_shared>> -> memref<10368x128xf32, #tpu.memory_space<vmem_shared>>
        tpu.enqueue_indirect_dma source(%dma_start3A_417 : memref<64x128xf32, #tpu.memory_space<vmem>>) target(%dma_start3A_423 : memref<10368x128xf32, #tpu.memory_space<vmem_shared>>) offsets(%dma_start3A_420 : memref<64xi32, #tpu.memory_space<vmem>>) semaphore(%arg15 : memref<!tpu.dma_semaphore, #tpu.memory_space<semaphore_mem>>) {add = true}
        %dma_wait3A_424 = arith.constant 0 : i32
        %dma_wait3A_425 = arith.constant 1 : i32
        %dma_wait3A_426 = arith.constant 0 : i32
        %dma_wait3A_427 = arith.constant 0 : i32
        %dma_wait3A_428 = tpu.memref_slice %arg9[%dma_wait3A_425, %dma_wait3A_426, %dma_wait3A_427] : memref<4x64x128xf32, #tpu.memory_space<vmem>> -> memref<1x64x128xf32, #tpu.memory_space<vmem>>
        %dma_wait3A_429 = tpu.memref_squeeze %dma_wait3A_428 : memref<1x64x128xf32, #tpu.memory_space<vmem>> -> memref<64x128xf32, #tpu.memory_space<vmem>>
        %dma_wait3A_430 = arith.constant 0 : i32
        %dma_wait3A_431 = tpu.memref_slice %arg7[%dma_wait3A_424, %add3A_335, %dma_wait3A_430] : memref<2x40x64xi32, #tpu.memory_space<vmem>> -> memref<1x1x64xi32, #tpu.memory_space<vmem>>
        %dma_wait3A_432 = tpu.memref_squeeze %dma_wait3A_431 : memref<1x1x64xi32, #tpu.memory_space<vmem>> -> memref<64xi32, #tpu.memory_space<vmem>>
        %dma_wait3A_433 = arith.constant 0 : i32
        %dma_wait3A_434 = arith.constant 0 : i32
        %dma_wait3A_435 = tpu.memref_slice %arg2[%dma_wait3A_433, %dma_wait3A_434] : memref<52048x128xf32, #tpu.memory_space<hbm>> -> memref<52048x128xf32, #tpu.memory_space<hbm>>
        tpu.wait_indirect_dma semaphore(%arg12 : memref<!tpu.dma_semaphore, #tpu.memory_space<semaphore_mem>>) src(%dma_wait3A_435 : memref<52048x128xf32, #tpu.memory_space<hbm>>) dst(%dma_wait3A_429 : memref<64x128xf32, #tpu.memory_space<vmem>>)
        %mul3A_436 = arith.constant 4 : i32
        %mul3A_437 = arith.muli %scan3A_303, %mul3A_436 : i32
        %add3A_438 = arith.constant 1 : i32
        %add3A_439 = arith.addi %mul3A_437, %add3A_438 : i32
        %dma_start3A_440 = arith.constant 1 : i32
        %dma_start3A_441 = arith.constant 0 : i32
        %dma_start3A_442 = arith.constant 0 : i32
        %dma_start3A_443 = arith.constant 0 : i32
        %dma_start3A_444 = tpu.memref_slice %arg9[%dma_start3A_440, %dma_start3A_442, %dma_start3A_443] : memref<4x64x128xf32, #tpu.memory_space<vmem>> -> memref<1x64x128xf32, #tpu.memory_space<vmem>>
        %dma_start3A_445 = tpu.memref_squeeze %dma_start3A_444 : memref<1x64x128xf32, #tpu.memory_space<vmem>> -> memref<64x128xf32, #tpu.memory_space<vmem>>
        %dma_start3A_446 = arith.constant 0 : i32
        %dma_start3A_447 = tpu.memref_slice %arg8[%dma_start3A_441, %add3A_439, %dma_start3A_446] : memref<2x40x64xi32, #tpu.memory_space<vmem>> -> memref<1x1x64xi32, #tpu.memory_space<vmem>>
        %dma_start3A_448 = tpu.memref_squeeze %dma_start3A_447 : memref<1x1x64xi32, #tpu.memory_space<vmem>> -> memref<64xi32, #tpu.memory_space<vmem>>
        %dma_start3A_449 = arith.constant 0 : i32
        %dma_start3A_450 = arith.constant 0 : i32
        %dma_start3A_451 = tpu.memref_slice %arg10[%dma_start3A_449, %dma_start3A_450] : memref<10368x128xf32, #tpu.memory_space<vmem_shared>> -> memref<10368x128xf32, #tpu.memory_space<vmem_shared>>
        tpu.enqueue_indirect_dma source(%dma_start3A_445 : memref<64x128xf32, #tpu.memory_space<vmem>>) target(%dma_start3A_451 : memref<10368x128xf32, #tpu.memory_space<vmem_shared>>) offsets(%dma_start3A_448 : memref<64xi32, #tpu.memory_space<vmem>>) semaphore(%arg16 : memref<!tpu.dma_semaphore, #tpu.memory_space<semaphore_mem>>) {add = true}
        %dma_wait3A_452 = arith.constant 0 : i32
        %dma_wait3A_453 = arith.constant 2 : i32
        %dma_wait3A_454 = arith.constant 0 : i32
        %dma_wait3A_455 = arith.constant 0 : i32
        %dma_wait3A_456 = tpu.memref_slice %arg9[%dma_wait3A_453, %dma_wait3A_454, %dma_wait3A_455] : memref<4x64x128xf32, #tpu.memory_space<vmem>> -> memref<1x64x128xf32, #tpu.memory_space<vmem>>
        %dma_wait3A_457 = tpu.memref_squeeze %dma_wait3A_456 : memref<1x64x128xf32, #tpu.memory_space<vmem>> -> memref<64x128xf32, #tpu.memory_space<vmem>>
        %dma_wait3A_458 = arith.constant 0 : i32
        %dma_wait3A_459 = tpu.memref_slice %arg7[%dma_wait3A_452, %add3A_359, %dma_wait3A_458] : memref<2x40x64xi32, #tpu.memory_space<vmem>> -> memref<1x1x64xi32, #tpu.memory_space<vmem>>
        %dma_wait3A_460 = tpu.memref_squeeze %dma_wait3A_459 : memref<1x1x64xi32, #tpu.memory_space<vmem>> -> memref<64xi32, #tpu.memory_space<vmem>>
        %dma_wait3A_461 = arith.constant 0 : i32
        %dma_wait3A_462 = arith.constant 0 : i32
        %dma_wait3A_463 = tpu.memref_slice %arg2[%dma_wait3A_461, %dma_wait3A_462] : memref<52048x128xf32, #tpu.memory_space<hbm>> -> memref<52048x128xf32, #tpu.memory_space<hbm>>
        tpu.wait_indirect_dma semaphore(%arg13 : memref<!tpu.dma_semaphore, #tpu.memory_space<semaphore_mem>>) src(%dma_wait3A_463 : memref<52048x128xf32, #tpu.memory_space<hbm>>) dst(%dma_wait3A_457 : memref<64x128xf32, #tpu.memory_space<vmem>>)
        %mul3A_464 = arith.constant 4 : i32
        %mul3A_465 = arith.muli %scan3A_303, %mul3A_464 : i32
        %add3A_466 = arith.constant 2 : i32
        %add3A_467 = arith.addi %mul3A_465, %add3A_466 : i32
        %dma_start3A_468 = arith.constant 2 : i32
        %dma_start3A_469 = arith.constant 0 : i32
        %dma_start3A_470 = arith.constant 0 : i32
        %dma_start3A_471 = arith.constant 0 : i32
        %dma_start3A_472 = tpu.memref_slice %arg9[%dma_start3A_468, %dma_start3A_470, %dma_start3A_471] : memref<4x64x128xf32, #tpu.memory_space<vmem>> -> memref<1x64x128xf32, #tpu.memory_space<vmem>>
        %dma_start3A_473 = tpu.memref_squeeze %dma_start3A_472 : memref<1x64x128xf32, #tpu.memory_space<vmem>> -> memref<64x128xf32, #tpu.memory_space<vmem>>
        %dma_start3A_474 = arith.constant 0 : i32
        %dma_start3A_475 = tpu.memref_slice %arg8[%dma_start3A_469, %add3A_467, %dma_start3A_474] : memref<2x40x64xi32, #tpu.memory_space<vmem>> -> memref<1x1x64xi32, #tpu.memory_space<vmem>>
        %dma_start3A_476 = tpu.memref_squeeze %dma_start3A_475 : memref<1x1x64xi32, #tpu.memory_space<vmem>> -> memref<64xi32, #tpu.memory_space<vmem>>
        %dma_start3A_477 = arith.constant 0 : i32
        %dma_start3A_478 = arith.constant 0 : i32
        %dma_start3A_479 = tpu.memref_slice %arg10[%dma_start3A_477, %dma_start3A_478] : memref<10368x128xf32, #tpu.memory_space<vmem_shared>> -> memref<10368x128xf32, #tpu.memory_space<vmem_shared>>
        tpu.enqueue_indirect_dma source(%dma_start3A_473 : memref<64x128xf32, #tpu.memory_space<vmem>>) target(%dma_start3A_479 : memref<10368x128xf32, #tpu.memory_space<vmem_shared>>) offsets(%dma_start3A_476 : memref<64xi32, #tpu.memory_space<vmem>>) semaphore(%arg17 : memref<!tpu.dma_semaphore, #tpu.memory_space<semaphore_mem>>) {add = true}
        %dma_wait3A_480 = arith.constant 0 : i32
        %dma_wait3A_481 = arith.constant 3 : i32
        %dma_wait3A_482 = arith.constant 0 : i32
        %dma_wait3A_483 = arith.constant 0 : i32
        %dma_wait3A_484 = tpu.memref_slice %arg9[%dma_wait3A_481, %dma_wait3A_482, %dma_wait3A_483] : memref<4x64x128xf32, #tpu.memory_space<vmem>> -> memref<1x64x128xf32, #tpu.memory_space<vmem>>
        %dma_wait3A_485 = tpu.memref_squeeze %dma_wait3A_484 : memref<1x64x128xf32, #tpu.memory_space<vmem>> -> memref<64x128xf32, #tpu.memory_space<vmem>>
        %dma_wait3A_486 = arith.constant 0 : i32
        %dma_wait3A_487 = tpu.memref_slice %arg7[%dma_wait3A_480, %add3A_383, %dma_wait3A_486] : memref<2x40x64xi32, #tpu.memory_space<vmem>> -> memref<1x1x64xi32, #tpu.memory_space<vmem>>
        %dma_wait3A_488 = tpu.memref_squeeze %dma_wait3A_487 : memref<1x1x64xi32, #tpu.memory_space<vmem>> -> memref<64xi32, #tpu.memory_space<vmem>>
        %dma_wait3A_489 = arith.constant 0 : i32
        %dma_wait3A_490 = arith.constant 0 : i32
        %dma_wait3A_491 = tpu.memref_slice %arg2[%dma_wait3A_489, %dma_wait3A_490] : memref<52048x128xf32, #tpu.memory_space<hbm>> -> memref<52048x128xf32, #tpu.memory_space<hbm>>
        tpu.wait_indirect_dma semaphore(%arg14 : memref<!tpu.dma_semaphore, #tpu.memory_space<semaphore_mem>>) src(%dma_wait3A_491 : memref<52048x128xf32, #tpu.memory_space<hbm>>) dst(%dma_wait3A_485 : memref<64x128xf32, #tpu.memory_space<vmem>>)
        %mul3A_492 = arith.constant 4 : i32
        %mul3A_493 = arith.muli %scan3A_303, %mul3A_492 : i32
        %add3A_494 = arith.constant 3 : i32
        %add3A_495 = arith.addi %mul3A_493, %add3A_494 : i32
        %dma_start3A_496 = arith.constant 3 : i32
        %dma_start3A_497 = arith.constant 0 : i32
        %dma_start3A_498 = arith.constant 0 : i32
        %dma_start3A_499 = arith.constant 0 : i32
        %dma_start3A_500 = tpu.memref_slice %arg9[%dma_start3A_496, %dma_start3A_498, %dma_start3A_499] : memref<4x64x128xf32, #tpu.memory_space<vmem>> -> memref<1x64x128xf32, #tpu.memory_space<vmem>>
        %dma_start3A_501 = tpu.memref_squeeze %dma_start3A_500 : memref<1x64x128xf32, #tpu.memory_space<vmem>> -> memref<64x128xf32, #tpu.memory_space<vmem>>
        %dma_start3A_502 = arith.constant 0 : i32
        %dma_start3A_503 = tpu.memref_slice %arg8[%dma_start3A_497, %add3A_495, %dma_start3A_502] : memref<2x40x64xi32, #tpu.memory_space<vmem>> -> memref<1x1x64xi32, #tpu.memory_space<vmem>>
        %dma_start3A_504 = tpu.memref_squeeze %dma_start3A_503 : memref<1x1x64xi32, #tpu.memory_space<vmem>> -> memref<64xi32, #tpu.memory_space<vmem>>
        %dma_start3A_505 = arith.constant 0 : i32
        %dma_start3A_506 = arith.constant 0 : i32
        %dma_start3A_507 = tpu.memref_slice %arg10[%dma_start3A_505, %dma_start3A_506] : memref<10368x128xf32, #tpu.memory_space<vmem_shared>> -> memref<10368x128xf32, #tpu.memory_space<vmem_shared>>
        tpu.enqueue_indirect_dma source(%dma_start3A_501 : memref<64x128xf32, #tpu.memory_space<vmem>>) target(%dma_start3A_507 : memref<10368x128xf32, #tpu.memory_space<vmem_shared>>) offsets(%dma_start3A_504 : memref<64xi32, #tpu.memory_space<vmem>>) semaphore(%arg18 : memref<!tpu.dma_semaphore, #tpu.memory_space<semaphore_mem>>) {add = true}
      }
      %scan3A_180 = arith.constant 10 : i32
      %dma_wait3A_181 = arith.constant 1 : i32
      %dma_wait3A_182 = arith.constant 0 : i32
      %dma_wait3A_183 = arith.constant 0 : i32
      %dma_wait3A_184 = tpu.memref_slice %arg7[%dma_wait3A_181, %dma_wait3A_182, %dma_wait3A_183] : memref<2x40x64xi32, #tpu.memory_space<vmem>> -> memref<1x40x64xi32, #tpu.memory_space<vmem>>
      %dma_wait3A_185 = tpu.memref_squeeze %dma_wait3A_184 : memref<1x40x64xi32, #tpu.memory_space<vmem>> -> memref<40x64xi32, #tpu.memory_space<vmem>>
      %dma_wait3A_186 = arith.constant 0 : i32
      %dma_wait3A_187 = tpu.memref_slice %arg3[%add3A, %mul3A_142, %dma_wait3A_186] : memref<32x400x64xi32, #tpu.memory_space<hbm>> -> memref<1x40x64xi32, #tpu.memory_space<hbm>>
      %dma_wait3A_188 = tpu.memref_squeeze %dma_wait3A_187 : memref<1x40x64xi32, #tpu.memory_space<hbm>> -> memref<40x64xi32, #tpu.memory_space<hbm>>
      %dma_wait3A_189 = arith.constant 0 : i32
      %dma_wait3A_190 = arith.constant 0 : i32
      %dma_wait3A_191 = tpu.memref_slice %arg7[%dma_wait3A_181, %dma_wait3A_189, %dma_wait3A_190] : memref<2x40x64xi32, #tpu.memory_space<vmem>> -> memref<1x40x64xi32, #tpu.memory_space<vmem>>
      %dma_wait3A_192 = tpu.memref_squeeze %dma_wait3A_191 : memref<1x40x64xi32, #tpu.memory_space<vmem>> -> memref<40x64xi32, #tpu.memory_space<vmem>>
      %dma_wait3A_193 = arith.constant 0 : i32
      %dma_wait3A_194 = tpu.memref_slice %arg3[%add3A, %mul3A_142, %dma_wait3A_193] : memref<32x400x64xi32, #tpu.memory_space<hbm>> -> memref<1x40x64xi32, #tpu.memory_space<hbm>>
      %dma_wait3A_195 = tpu.memref_squeeze %dma_wait3A_194 : memref<1x40x64xi32, #tpu.memory_space<hbm>> -> memref<40x64xi32, #tpu.memory_space<hbm>>
      tpu.wait_dma2 semaphore(%arg19 : memref<!tpu.dma_semaphore, #tpu.memory_space<semaphore_mem>>) src(%dma_wait3A_195 : memref<40x64xi32, #tpu.memory_space<hbm>>) dst(%dma_wait3A_192 : memref<40x64xi32, #tpu.memory_space<vmem>>)
      %dma_wait3A_196 = arith.constant 1 : i32
      %dma_wait3A_197 = arith.constant 0 : i32
      %dma_wait3A_198 = arith.constant 0 : i32
      %dma_wait3A_199 = tpu.memref_slice %arg8[%dma_wait3A_196, %dma_wait3A_197, %dma_wait3A_198] : memref<2x40x64xi32, #tpu.memory_space<vmem>> -> memref<1x40x64xi32, #tpu.memory_space<vmem>>
      %dma_wait3A_200 = tpu.memref_squeeze %dma_wait3A_199 : memref<1x40x64xi32, #tpu.memory_space<vmem>> -> memref<40x64xi32, #tpu.memory_space<vmem>>
      %dma_wait3A_201 = arith.constant 0 : i32
      %dma_wait3A_202 = tpu.memref_slice %arg4[%add3A, %mul3A_159, %dma_wait3A_201] : memref<32x400x64xi32, #tpu.memory_space<hbm>> -> memref<1x40x64xi32, #tpu.memory_space<hbm>>
      %dma_wait3A_203 = tpu.memref_squeeze %dma_wait3A_202 : memref<1x40x64xi32, #tpu.memory_space<hbm>> -> memref<40x64xi32, #tpu.memory_space<hbm>>
      %dma_wait3A_204 = arith.constant 0 : i32
      %dma_wait3A_205 = arith.constant 0 : i32
      %dma_wait3A_206 = tpu.memref_slice %arg8[%dma_wait3A_196, %dma_wait3A_204, %dma_wait3A_205] : memref<2x40x64xi32, #tpu.memory_space<vmem>> -> memref<1x40x64xi32, #tpu.memory_space<vmem>>
      %dma_wait3A_207 = tpu.memref_squeeze %dma_wait3A_206 : memref<1x40x64xi32, #tpu.memory_space<vmem>> -> memref<40x64xi32, #tpu.memory_space<vmem>>
      %dma_wait3A_208 = arith.constant 0 : i32
      %dma_wait3A_209 = tpu.memref_slice %arg4[%add3A, %mul3A_159, %dma_wait3A_208] : memref<32x400x64xi32, #tpu.memory_space<hbm>> -> memref<1x40x64xi32, #tpu.memory_space<hbm>>
      %dma_wait3A_210 = tpu.memref_squeeze %dma_wait3A_209 : memref<1x40x64xi32, #tpu.memory_space<hbm>> -> memref<40x64xi32, #tpu.memory_space<hbm>>
      tpu.wait_dma2 semaphore(%arg19 : memref<!tpu.dma_semaphore, #tpu.memory_space<semaphore_mem>>) src(%dma_wait3A_210 : memref<40x64xi32, #tpu.memory_space<hbm>>) dst(%dma_wait3A_207 : memref<40x64xi32, #tpu.memory_space<vmem>>)
      %scan3A_211 = arith.constant 0 : i32
      %scan3A_212 = arith.constant 0 : i32
      %scan3A_213 = arith.constant 40 : i32
      %scan3A_214 = arith.addi %scan3A_212, %scan3A_213 : i32
      %scan3A_215 = arith.constant 1 : i32
      scf.for %scan3A_303 = %scan3A_212 to %scan3A_214 step %scan3A_215  : i32 {
        %get3A = arith.constant 1 : i32
        %get3A_304 = arith.index_cast %get3A : i32 to index
        %get3A_305 = arith.index_cast %scan3A_303 : i32 to index
        %get3A_306 = arith.constant 0 : index
        %get3A_307 = tpu.vector_load %arg7[%get3A_304, %get3A_305, %get3A_306] {strides = array<i32>} : memref<2x40x64xi32, #tpu.memory_space<vmem>>, vector<1x1x16xi32>,
        %get3A_308 = vector.shape_cast %get3A_307 : vector<1x1x16xi32> to vector<16xi32>
        %lt3A_309 = arith.constant 10000 : i32
        %lt3A_310 = vector.broadcast %lt3A_309 : i32 to vector<16xi32>
        %lt3A_311 = arith.cmpi slt, %get3A_308, %lt3A_310 : vector<16xi32>
        %and3A = arith.constant 2047 : i32
        %and3A_312 = vector.broadcast %and3A : i32 to vector<16xi32>
        %and3A_313 = arith.andi %get3A_308, %and3A_312 : vector<16xi32>
        %add3A_314 = arith.constant 50000 : i32
        %add3A_315 = vector.broadcast %add3A_314 : i32 to vector<16xi32>
        %add3A_316 = arith.addi %add3A_315, %and3A_313 : vector<16xi32>
        %select_n3A_317 = arith.select %lt3A_311, %add3A_316, %get3A_308 : vector<16xi1>, vector<16xi32>
        %swap3A = arith.constant 1 : i32
        %swap3A_318 = arith.index_cast %swap3A : i32 to index
        %swap3A_319 = arith.index_cast %scan3A_303 : i32 to index
        %swap3A_320 = arith.constant 0 : index
        %swap3A_321 = tpu.vector_load %arg7[%swap3A_318, %swap3A_319, %swap3A_320] {strides = array<i32>} : memref<2x40x64xi32, #tpu.memory_space<vmem>>, vector<1x1x16xi32>,
        %swap3A_322 = vector.shape_cast %swap3A_321 : vector<1x1x16xi32> to vector<16xi32>
        %swap3A_323 = vector.shape_cast %select_n3A_317 : vector<16xi32> to vector<1x1x16xi32>
        tpu.vector_store %arg7[%swap3A_318, %swap3A_319, %swap3A_320], %swap3A_323 {strides = array<i32>} : memref<2x40x64xi32, #tpu.memory_space<vmem>>, vector<1x1x16xi32>,
        %get3A_324 = arith.constant 1 : i32
        %get3A_325 = arith.index_cast %get3A_324 : i32 to index
        %get3A_326 = arith.index_cast %scan3A_303 : i32 to index
        %get3A_327 = arith.constant 16 : index
        %get3A_328 = tpu.vector_load %arg7[%get3A_325, %get3A_326, %get3A_327] {strides = array<i32>} : memref<2x40x64xi32, #tpu.memory_space<vmem>>, vector<1x1x16xi32>,
        %get3A_329 = vector.shape_cast %get3A_328 : vector<1x1x16xi32> to vector<16xi32>
        %lt3A_330 = arith.constant 10000 : i32
        %lt3A_331 = vector.broadcast %lt3A_330 : i32 to vector<16xi32>
        %lt3A_332 = arith.cmpi slt, %get3A_329, %lt3A_331 : vector<16xi32>
        %and3A_333 = arith.constant 2047 : i32
        %and3A_334 = vector.broadcast %and3A_333 : i32 to vector<16xi32>
        %and3A_335 = arith.andi %get3A_329, %and3A_334 : vector<16xi32>
        %add3A_336 = arith.constant 50000 : i32
        %add3A_337 = vector.broadcast %add3A_336 : i32 to vector<16xi32>
        %add3A_338 = arith.addi %add3A_337, %and3A_335 : vector<16xi32>
        %select_n3A_339 = arith.select %lt3A_332, %add3A_338, %get3A_329 : vector<16xi1>, vector<16xi32>
        %swap3A_340 = arith.constant 1 : i32
        %swap3A_341 = arith.index_cast %swap3A_340 : i32 to index
        %swap3A_342 = arith.index_cast %scan3A_303 : i32 to index
        %swap3A_343 = arith.constant 16 : index
        %swap3A_344 = tpu.vector_load %arg7[%swap3A_341, %swap3A_342, %swap3A_343] {strides = array<i32>} : memref<2x40x64xi32, #tpu.memory_space<vmem>>, vector<1x1x16xi32>,
        %swap3A_345 = vector.shape_cast %swap3A_344 : vector<1x1x16xi32> to vector<16xi32>
        %swap3A_346 = vector.shape_cast %select_n3A_339 : vector<16xi32> to vector<1x1x16xi32>
        tpu.vector_store %arg7[%swap3A_341, %swap3A_342, %swap3A_343], %swap3A_346 {strides = array<i32>} : memref<2x40x64xi32, #tpu.memory_space<vmem>>, vector<1x1x16xi32>,
        %get3A_347 = arith.constant 1 : i32
        %get3A_348 = arith.index_cast %get3A_347 : i32 to index
        %get3A_349 = arith.index_cast %scan3A_303 : i32 to index
        %get3A_350 = arith.constant 32 : index
        %get3A_351 = tpu.vector_load %arg7[%get3A_348, %get3A_349, %get3A_350] {strides = array<i32>} : memref<2x40x64xi32, #tpu.memory_space<vmem>>, vector<1x1x16xi32>,
        %get3A_352 = vector.shape_cast %get3A_351 : vector<1x1x16xi32> to vector<16xi32>
        %lt3A_353 = arith.constant 10000 : i32
        %lt3A_354 = vector.broadcast %lt3A_353 : i32 to vector<16xi32>
        %lt3A_355 = arith.cmpi slt, %get3A_352, %lt3A_354 : vector<16xi32>
        %and3A_356 = arith.constant 2047 : i32
        %and3A_357 = vector.broadcast %and3A_356 : i32 to vector<16xi32>
        %and3A_358 = arith.andi %get3A_352, %and3A_357 : vector<16xi32>
        %add3A_359 = arith.constant 50000 : i32
        %add3A_360 = vector.broadcast %add3A_359 : i32 to vector<16xi32>
        %add3A_361 = arith.addi %add3A_360, %and3A_358 : vector<16xi32>
        %select_n3A_362 = arith.select %lt3A_355, %add3A_361, %get3A_352 : vector<16xi1>, vector<16xi32>
        %swap3A_363 = arith.constant 1 : i32
        %swap3A_364 = arith.index_cast %swap3A_363 : i32 to index
        %swap3A_365 = arith.index_cast %scan3A_303 : i32 to index
        %swap3A_366 = arith.constant 32 : index
        %swap3A_367 = tpu.vector_load %arg7[%swap3A_364, %swap3A_365, %swap3A_366] {strides = array<i32>} : memref<2x40x64xi32, #tpu.memory_space<vmem>>, vector<1x1x16xi32>,
        %swap3A_368 = vector.shape_cast %swap3A_367 : vector<1x1x16xi32> to vector<16xi32>
        %swap3A_369 = vector.shape_cast %select_n3A_362 : vector<16xi32> to vector<1x1x16xi32>
        tpu.vector_store %arg7[%swap3A_364, %swap3A_365, %swap3A_366], %swap3A_369 {strides = array<i32>} : memref<2x40x64xi32, #tpu.memory_space<vmem>>, vector<1x1x16xi32>,
        %get3A_370 = arith.constant 1 : i32
        %get3A_371 = arith.index_cast %get3A_370 : i32 to index
        %get3A_372 = arith.index_cast %scan3A_303 : i32 to index
        %get3A_373 = arith.constant 48 : index
        %get3A_374 = tpu.vector_load %arg7[%get3A_371, %get3A_372, %get3A_373] {strides = array<i32>} : memref<2x40x64xi32, #tpu.memory_space<vmem>>, vector<1x1x16xi32>,
        %get3A_375 = vector.shape_cast %get3A_374 : vector<1x1x16xi32> to vector<16xi32>
        %lt3A_376 = arith.constant 10000 : i32
        %lt3A_377 = vector.broadcast %lt3A_376 : i32 to vector<16xi32>
        %lt3A_378 = arith.cmpi slt, %get3A_375, %lt3A_377 : vector<16xi32>
        %and3A_379 = arith.constant 2047 : i32
        %and3A_380 = vector.broadcast %and3A_379 : i32 to vector<16xi32>
        %and3A_381 = arith.andi %get3A_375, %and3A_380 : vector<16xi32>
        %add3A_382 = arith.constant 50000 : i32
        %add3A_383 = vector.broadcast %add3A_382 : i32 to vector<16xi32>
        %add3A_384 = arith.addi %add3A_383, %and3A_381 : vector<16xi32>
        %select_n3A_385 = arith.select %lt3A_378, %add3A_384, %get3A_375 : vector<16xi1>, vector<16xi32>
        %swap3A_386 = arith.constant 1 : i32
        %swap3A_387 = arith.index_cast %swap3A_386 : i32 to index
        %swap3A_388 = arith.index_cast %scan3A_303 : i32 to index
        %swap3A_389 = arith.constant 48 : index
        %swap3A_390 = tpu.vector_load %arg7[%swap3A_387, %swap3A_388, %swap3A_389] {strides = array<i32>} : memref<2x40x64xi32, #tpu.memory_space<vmem>>, vector<1x1x16xi32>,
        %swap3A_391 = vector.shape_cast %swap3A_390 : vector<1x1x16xi32> to vector<16xi32>
        %swap3A_392 = vector.shape_cast %select_n3A_385 : vector<16xi32> to vector<1x1x16xi32>
        tpu.vector_store %arg7[%swap3A_387, %swap3A_388, %swap3A_389], %swap3A_392 {strides = array<i32>} : memref<2x40x64xi32, #tpu.memory_space<vmem>>, vector<1x1x16xi32>,
      }
      %scan3A_216 = arith.constant 40 : i32
      %mul3A_217 = arith.constant 2 : i32
      %mul3A_218 = arith.muli %mul3A_217, %scan3A_133 : i32
      %add3A_219 = arith.constant 1 : i32
      %add3A_220 = arith.addi %mul3A_218, %add3A_219 : i32
      %lt3A_221 = arith.constant 9 : i32
      %lt3A_222 = arith.cmpi slt, %add3A_220, %lt3A_221 : i32
      %add3A_223 = arith.constant 1 : i32
      %add3A_224 = arith.addi %add3A_220, %add3A_223 : i32
      %jit3A_225 = arith.constant 0 : i32
      %select_n3A_226 = arith.select %lt3A_222, %add3A_224, %jit3A_225 : i32
      %mul3A_227 = arith.constant 40 : i32
      %mul3A_228 = arith.muli %select_n3A_226, %mul3A_227 : i32
      %dma_start3A_229 = arith.constant 0 : i32
      %dma_start3A_230 = arith.constant 0 : i32
      %dma_start3A_231 = arith.constant 0 : i32
      %dma_start3A_232 = tpu.memref_slice %arg7[%dma_start3A_229, %dma_start3A_230, %dma_start3A_231] : memref<2x40x64xi32, #tpu.memory_space<vmem>> -> memref<1x40x64xi32, #tpu.memory_space<vmem>>
      %dma_start3A_233 = tpu.memref_squeeze %dma_start3A_232 : memref<1x40x64xi32, #tpu.memory_space<vmem>> -> memref<40x64xi32, #tpu.memory_space<vmem>>
      %dma_start3A_234 = arith.constant 0 : i32
      %dma_start3A_235 = tpu.memref_slice %arg3[%add3A, %mul3A_228, %dma_start3A_234] : memref<32x400x64xi32, #tpu.memory_space<hbm>> -> memref<1x40x64xi32, #tpu.memory_space<hbm>>
      %dma_start3A_236 = tpu.memref_squeeze %dma_start3A_235 : memref<1x40x64xi32, #tpu.memory_space<hbm>> -> memref<40x64xi32, #tpu.memory_space<hbm>>
      %dma_start3A_237 = arith.constant 0 : i32
      %dma_start3A_238 = arith.constant 0 : i32
      %dma_start3A_239 = tpu.memref_slice %arg7[%dma_start3A_229, %dma_start3A_237, %dma_start3A_238] : memref<2x40x64xi32, #tpu.memory_space<vmem>> -> memref<1x40x64xi32, #tpu.memory_space<vmem>>
      %dma_start3A_240 = tpu.memref_squeeze %dma_start3A_239 : memref<1x40x64xi32, #tpu.memory_space<vmem>> -> memref<40x64xi32, #tpu.memory_space<vmem>>
      %dma_start3A_241 = arith.constant 0 : i32
      %dma_start3A_242 = tpu.memref_slice %arg3[%add3A, %mul3A_228, %dma_start3A_241] : memref<32x400x64xi32, #tpu.memory_space<hbm>> -> memref<1x40x64xi32, #tpu.memory_space<hbm>>
      %dma_start3A_243 = tpu.memref_squeeze %dma_start3A_242 : memref<1x40x64xi32, #tpu.memory_space<hbm>> -> memref<40x64xi32, #tpu.memory_space<hbm>>
      tpu.enqueue_dma source(%dma_start3A_243 : memref<40x64xi32, #tpu.memory_space<hbm>>) target(%dma_start3A_240 : memref<40x64xi32, #tpu.memory_space<vmem>>) target_semaphore(%arg19 : memref<!tpu.dma_semaphore, #tpu.memory_space<semaphore_mem>>)
      %mul3A_244 = arith.constant 40 : i32
      %mul3A_245 = arith.muli %select_n3A_226, %mul3A_244 : i32
      %dma_start3A_246 = arith.constant 0 : i32
      %dma_start3A_247 = arith.constant 0 : i32
      %dma_start3A_248 = arith.constant 0 : i32
      %dma_start3A_249 = tpu.memref_slice %arg8[%dma_start3A_246, %dma_start3A_247, %dma_start3A_248] : memref<2x40x64xi32, #tpu.memory_space<vmem>> -> memref<1x40x64xi32, #tpu.memory_space<vmem>>
      %dma_start3A_250 = tpu.memref_squeeze %dma_start3A_249 : memref<1x40x64xi32, #tpu.memory_space<vmem>> -> memref<40x64xi32, #tpu.memory_space<vmem>>
      %dma_start3A_251 = arith.constant 0 : i32
      %dma_start3A_252 = tpu.memref_slice %arg4[%add3A, %mul3A_245, %dma_start3A_251] : memref<32x400x64xi32, #tpu.memory_space<hbm>> -> memref<1x40x64xi32, #tpu.memory_space<hbm>>
      %dma_start3A_253 = tpu.memref_squeeze %dma_start3A_252 : memref<1x40x64xi32, #tpu.memory_space<hbm>> -> memref<40x64xi32, #tpu.memory_space<hbm>>
      %dma_start3A_254 = arith.constant 0 : i32
      %dma_start3A_255 = arith.constant 0 : i32
      %dma_start3A_256 = tpu.memref_slice %arg8[%dma_start3A_246, %dma_start3A_254, %dma_start3A_255] : memref<2x40x64xi32, #tpu.memory_space<vmem>> -> memref<1x40x64xi32, #tpu.memory_space<vmem>>
      %dma_start3A_257 = tpu.memref_squeeze %dma_start3A_256 : memref<1x40x64xi32, #tpu.memory_space<vmem>> -> memref<40x64xi32, #tpu.memory_space<vmem>>
      %dma_start3A_258 = arith.constant 0 : i32
      %dma_start3A_259 = tpu.memref_slice %arg4[%add3A, %mul3A_245, %dma_start3A_258] : memref<32x400x64xi32, #tpu.memory_space<hbm>> -> memref<1x40x64xi32, #tpu.memory_space<hbm>>
      %dma_start3A_260 = tpu.memref_squeeze %dma_start3A_259 : memref<1x40x64xi32, #tpu.memory_space<hbm>> -> memref<40x64xi32, #tpu.memory_space<hbm>>
      tpu.enqueue_dma source(%dma_start3A_260 : memref<40x64xi32, #tpu.memory_space<hbm>>) target(%dma_start3A_257 : memref<40x64xi32, #tpu.memory_space<vmem>>) target_semaphore(%arg19 : memref<!tpu.dma_semaphore, #tpu.memory_space<semaphore_mem>>)
      %scan3A_261 = arith.constant 0 : i32
      %scan3A_262 = arith.constant 0 : i32
      %scan3A_263 = arith.constant 10 : i32
      %scan3A_264 = arith.addi %scan3A_262, %scan3A_263 : i32
      %scan3A_265 = arith.constant 1 : i32
      scf.for %scan3A_303 = %scan3A_262 to %scan3A_264 step %scan3A_265  : i32 {
        %gt3A = arith.constant 0 : i32
        %gt3A_304 = arith.cmpi sgt, %add3A_220, %gt3A : i32
        %gt3A_305 = arith.constant 0 : i32
        %gt3A_306 = arith.cmpi sgt, %scan3A_303, %gt3A_305 : i32
        %or3A = arith.ori %gt3A_304, %gt3A_306 : i1
        %convert_element_type3A = arith.extui %or3A : i1 to i32
        %cond3A = arith.constant 0 : i32
        %cond3A_307 = arith.cmpi ne, %convert_element_type3A, %cond3A : i32
        scf.if %cond3A_307 {
          %dma_wait3A_508 = arith.constant 0 : i32
          %dma_wait3A_509 = arith.constant 0 : i32
          %dma_wait3A_510 = arith.constant 0 : i32
          %dma_wait3A_511 = arith.constant 0 : i32
          %dma_wait3A_512 = arith.constant 0 : i32
          %dma_wait3A_513 = tpu.memref_slice %arg9[%dma_wait3A_508, %dma_wait3A_511, %dma_wait3A_512] : memref<4x64x128xf32, #tpu.memory_space<vmem>> -> memref<1x64x128xf32, #tpu.memory_space<vmem>>
          %dma_wait3A_514 = tpu.memref_squeeze %dma_wait3A_513 : memref<1x64x128xf32, #tpu.memory_space<vmem>> -> memref<64x128xf32, #tpu.memory_space<vmem>>
          %dma_wait3A_515 = arith.constant 0 : i32
          %dma_wait3A_516 = tpu.memref_slice %arg8[%dma_wait3A_509, %dma_wait3A_510, %dma_wait3A_515] : memref<2x40x64xi32, #tpu.memory_space<vmem>> -> memref<1x1x64xi32, #tpu.memory_space<vmem>>
          %dma_wait3A_517 = tpu.memref_squeeze %dma_wait3A_516 : memref<1x1x64xi32, #tpu.memory_space<vmem>> -> memref<64xi32, #tpu.memory_space<vmem>>
          %dma_wait3A_518 = arith.constant 0 : i32
          %dma_wait3A_519 = arith.constant 0 : i32
          %dma_wait3A_520 = tpu.memref_slice %arg10[%dma_wait3A_518, %dma_wait3A_519] : memref<10368x128xf32, #tpu.memory_space<vmem_shared>> -> memref<10368x128xf32, #tpu.memory_space<vmem_shared>>
          tpu.wait_indirect_dma semaphore(%arg15 : memref<!tpu.dma_semaphore, #tpu.memory_space<semaphore_mem>>) src(%dma_wait3A_514 : memref<64x128xf32, #tpu.memory_space<vmem>>) dst(%dma_wait3A_520 : memref<10368x128xf32, #tpu.memory_space<vmem_shared>>)
        } else {
        }
        %mul3A_308 = arith.constant 4 : i32
        %mul3A_309 = arith.muli %scan3A_303, %mul3A_308 : i32
        %add3A_310 = arith.constant 0 : i32
        %add3A_311 = arith.addi %mul3A_309, %add3A_310 : i32
        %dma_start3A_312 = arith.constant 1 : i32
        %dma_start3A_313 = arith.constant 0 : i32
        %dma_start3A_314 = arith.constant 0 : i32
        %dma_start3A_315 = arith.constant 0 : i32
        %dma_start3A_316 = tpu.memref_slice %arg9[%dma_start3A_313, %dma_start3A_314, %dma_start3A_315] : memref<4x64x128xf32, #tpu.memory_space<vmem>> -> memref<1x64x128xf32, #tpu.memory_space<vmem>>
        %dma_start3A_317 = tpu.memref_squeeze %dma_start3A_316 : memref<1x64x128xf32, #tpu.memory_space<vmem>> -> memref<64x128xf32, #tpu.memory_space<vmem>>
        %dma_start3A_318 = arith.constant 0 : i32
        %dma_start3A_319 = tpu.memref_slice %arg7[%dma_start3A_312, %add3A_311, %dma_start3A_318] : memref<2x40x64xi32, #tpu.memory_space<vmem>> -> memref<1x1x64xi32, #tpu.memory_space<vmem>>
        %dma_start3A_320 = tpu.memref_squeeze %dma_start3A_319 : memref<1x1x64xi32, #tpu.memory_space<vmem>> -> memref<64xi32, #tpu.memory_space<vmem>>
        %dma_start3A_321 = arith.constant 0 : i32
        %dma_start3A_322 = arith.constant 0 : i32
        %dma_start3A_323 = tpu.memref_slice %arg2[%dma_start3A_321, %dma_start3A_322] : memref<52048x128xf32, #tpu.memory_space<hbm>> -> memref<52048x128xf32, #tpu.memory_space<hbm>>
        tpu.enqueue_indirect_dma source(%dma_start3A_323 : memref<52048x128xf32, #tpu.memory_space<hbm>>) target(%dma_start3A_317 : memref<64x128xf32, #tpu.memory_space<vmem>>) offsets(%dma_start3A_320 : memref<64xi32, #tpu.memory_space<vmem>>) semaphore(%arg11 : memref<!tpu.dma_semaphore, #tpu.memory_space<semaphore_mem>>)
        %gt3A_324 = arith.constant 0 : i32
        %gt3A_325 = arith.cmpi sgt, %add3A_220, %gt3A_324 : i32
        %gt3A_326 = arith.constant 0 : i32
        %gt3A_327 = arith.cmpi sgt, %scan3A_303, %gt3A_326 : i32
        %or3A_328 = arith.ori %gt3A_325, %gt3A_327 : i1
        %convert_element_type3A_329 = arith.extui %or3A_328 : i1 to i32
        %cond3A_330 = arith.constant 0 : i32
        %cond3A_331 = arith.cmpi ne, %convert_element_type3A_329, %cond3A_330 : i32
        scf.if %cond3A_331 {
          %dma_wait3A_508 = arith.constant 1 : i32
          %dma_wait3A_509 = arith.constant 0 : i32
          %dma_wait3A_510 = arith.constant 1 : i32
          %dma_wait3A_511 = arith.constant 0 : i32
          %dma_wait3A_512 = arith.constant 0 : i32
          %dma_wait3A_513 = tpu.memref_slice %arg9[%dma_wait3A_508, %dma_wait3A_511, %dma_wait3A_512] : memref<4x64x128xf32, #tpu.memory_space<vmem>> -> memref<1x64x128xf32, #tpu.memory_space<vmem>>
          %dma_wait3A_514 = tpu.memref_squeeze %dma_wait3A_513 : memref<1x64x128xf32, #tpu.memory_space<vmem>> -> memref<64x128xf32, #tpu.memory_space<vmem>>
          %dma_wait3A_515 = arith.constant 0 : i32
          %dma_wait3A_516 = tpu.memref_slice %arg8[%dma_wait3A_509, %dma_wait3A_510, %dma_wait3A_515] : memref<2x40x64xi32, #tpu.memory_space<vmem>> -> memref<1x1x64xi32, #tpu.memory_space<vmem>>
          %dma_wait3A_517 = tpu.memref_squeeze %dma_wait3A_516 : memref<1x1x64xi32, #tpu.memory_space<vmem>> -> memref<64xi32, #tpu.memory_space<vmem>>
          %dma_wait3A_518 = arith.constant 0 : i32
          %dma_wait3A_519 = arith.constant 0 : i32
          %dma_wait3A_520 = tpu.memref_slice %arg10[%dma_wait3A_518, %dma_wait3A_519] : memref<10368x128xf32, #tpu.memory_space<vmem_shared>> -> memref<10368x128xf32, #tpu.memory_space<vmem_shared>>
          tpu.wait_indirect_dma semaphore(%arg16 : memref<!tpu.dma_semaphore, #tpu.memory_space<semaphore_mem>>) src(%dma_wait3A_514 : memref<64x128xf32, #tpu.memory_space<vmem>>) dst(%dma_wait3A_520 : memref<10368x128xf32, #tpu.memory_space<vmem_shared>>)
        } else {
        }
        %mul3A_332 = arith.constant 4 : i32
        %mul3A_333 = arith.muli %scan3A_303, %mul3A_332 : i32
        %add3A_334 = arith.constant 1 : i32
        %add3A_335 = arith.addi %mul3A_333, %add3A_334 : i32
        %dma_start3A_336 = arith.constant 1 : i32
        %dma_start3A_337 = arith.constant 1 : i32
        %dma_start3A_338 = arith.constant 0 : i32
        %dma_start3A_339 = arith.constant 0 : i32
        %dma_start3A_340 = tpu.memref_slice %arg9[%dma_start3A_337, %dma_start3A_338, %dma_start3A_339] : memref<4x64x128xf32, #tpu.memory_space<vmem>> -> memref<1x64x128xf32, #tpu.memory_space<vmem>>
        %dma_start3A_341 = tpu.memref_squeeze %dma_start3A_340 : memref<1x64x128xf32, #tpu.memory_space<vmem>> -> memref<64x128xf32, #tpu.memory_space<vmem>>
        %dma_start3A_342 = arith.constant 0 : i32
        %dma_start3A_343 = tpu.memref_slice %arg7[%dma_start3A_336, %add3A_335, %dma_start3A_342] : memref<2x40x64xi32, #tpu.memory_space<vmem>> -> memref<1x1x64xi32, #tpu.memory_space<vmem>>
        %dma_start3A_344 = tpu.memref_squeeze %dma_start3A_343 : memref<1x1x64xi32, #tpu.memory_space<vmem>> -> memref<64xi32, #tpu.memory_space<vmem>>
        %dma_start3A_345 = arith.constant 0 : i32
        %dma_start3A_346 = arith.constant 0 : i32
        %dma_start3A_347 = tpu.memref_slice %arg2[%dma_start3A_345, %dma_start3A_346] : memref<52048x128xf32, #tpu.memory_space<hbm>> -> memref<52048x128xf32, #tpu.memory_space<hbm>>
        tpu.enqueue_indirect_dma source(%dma_start3A_347 : memref<52048x128xf32, #tpu.memory_space<hbm>>) target(%dma_start3A_341 : memref<64x128xf32, #tpu.memory_space<vmem>>) offsets(%dma_start3A_344 : memref<64xi32, #tpu.memory_space<vmem>>) semaphore(%arg12 : memref<!tpu.dma_semaphore, #tpu.memory_space<semaphore_mem>>)
        %gt3A_348 = arith.constant 0 : i32
        %gt3A_349 = arith.cmpi sgt, %add3A_220, %gt3A_348 : i32
        %gt3A_350 = arith.constant 0 : i32
        %gt3A_351 = arith.cmpi sgt, %scan3A_303, %gt3A_350 : i32
        %or3A_352 = arith.ori %gt3A_349, %gt3A_351 : i1
        %convert_element_type3A_353 = arith.extui %or3A_352 : i1 to i32
        %cond3A_354 = arith.constant 0 : i32
        %cond3A_355 = arith.cmpi ne, %convert_element_type3A_353, %cond3A_354 : i32
        scf.if %cond3A_355 {
          %dma_wait3A_508 = arith.constant 2 : i32
          %dma_wait3A_509 = arith.constant 0 : i32
          %dma_wait3A_510 = arith.constant 2 : i32
          %dma_wait3A_511 = arith.constant 0 : i32
          %dma_wait3A_512 = arith.constant 0 : i32
          %dma_wait3A_513 = tpu.memref_slice %arg9[%dma_wait3A_508, %dma_wait3A_511, %dma_wait3A_512] : memref<4x64x128xf32, #tpu.memory_space<vmem>> -> memref<1x64x128xf32, #tpu.memory_space<vmem>>
          %dma_wait3A_514 = tpu.memref_squeeze %dma_wait3A_513 : memref<1x64x128xf32, #tpu.memory_space<vmem>> -> memref<64x128xf32, #tpu.memory_space<vmem>>
          %dma_wait3A_515 = arith.constant 0 : i32
          %dma_wait3A_516 = tpu.memref_slice %arg8[%dma_wait3A_509, %dma_wait3A_510, %dma_wait3A_515] : memref<2x40x64xi32, #tpu.memory_space<vmem>> -> memref<1x1x64xi32, #tpu.memory_space<vmem>>
          %dma_wait3A_517 = tpu.memref_squeeze %dma_wait3A_516 : memref<1x1x64xi32, #tpu.memory_space<vmem>> -> memref<64xi32, #tpu.memory_space<vmem>>
          %dma_wait3A_518 = arith.constant 0 : i32
          %dma_wait3A_519 = arith.constant 0 : i32
          %dma_wait3A_520 = tpu.memref_slice %arg10[%dma_wait3A_518, %dma_wait3A_519] : memref<10368x128xf32, #tpu.memory_space<vmem_shared>> -> memref<10368x128xf32, #tpu.memory_space<vmem_shared>>
          tpu.wait_indirect_dma semaphore(%arg17 : memref<!tpu.dma_semaphore, #tpu.memory_space<semaphore_mem>>) src(%dma_wait3A_514 : memref<64x128xf32, #tpu.memory_space<vmem>>) dst(%dma_wait3A_520 : memref<10368x128xf32, #tpu.memory_space<vmem_shared>>)
        } else {
        }
        %mul3A_356 = arith.constant 4 : i32
        %mul3A_357 = arith.muli %scan3A_303, %mul3A_356 : i32
        %add3A_358 = arith.constant 2 : i32
        %add3A_359 = arith.addi %mul3A_357, %add3A_358 : i32
        %dma_start3A_360 = arith.constant 1 : i32
        %dma_start3A_361 = arith.constant 2 : i32
        %dma_start3A_362 = arith.constant 0 : i32
        %dma_start3A_363 = arith.constant 0 : i32
        %dma_start3A_364 = tpu.memref_slice %arg9[%dma_start3A_361, %dma_start3A_362, %dma_start3A_363] : memref<4x64x128xf32, #tpu.memory_space<vmem>> -> memref<1x64x128xf32, #tpu.memory_space<vmem>>
        %dma_start3A_365 = tpu.memref_squeeze %dma_start3A_364 : memref<1x64x128xf32, #tpu.memory_space<vmem>> -> memref<64x128xf32, #tpu.memory_space<vmem>>
        %dma_start3A_366 = arith.constant 0 : i32
        %dma_start3A_367 = tpu.memref_slice %arg7[%dma_start3A_360, %add3A_359, %dma_start3A_366] : memref<2x40x64xi32, #tpu.memory_space<vmem>> -> memref<1x1x64xi32, #tpu.memory_space<vmem>>
        %dma_start3A_368 = tpu.memref_squeeze %dma_start3A_367 : memref<1x1x64xi32, #tpu.memory_space<vmem>> -> memref<64xi32, #tpu.memory_space<vmem>>
        %dma_start3A_369 = arith.constant 0 : i32
        %dma_start3A_370 = arith.constant 0 : i32
        %dma_start3A_371 = tpu.memref_slice %arg2[%dma_start3A_369, %dma_start3A_370] : memref<52048x128xf32, #tpu.memory_space<hbm>> -> memref<52048x128xf32, #tpu.memory_space<hbm>>
        tpu.enqueue_indirect_dma source(%dma_start3A_371 : memref<52048x128xf32, #tpu.memory_space<hbm>>) target(%dma_start3A_365 : memref<64x128xf32, #tpu.memory_space<vmem>>) offsets(%dma_start3A_368 : memref<64xi32, #tpu.memory_space<vmem>>) semaphore(%arg13 : memref<!tpu.dma_semaphore, #tpu.memory_space<semaphore_mem>>)
        %gt3A_372 = arith.constant 0 : i32
        %gt3A_373 = arith.cmpi sgt, %add3A_220, %gt3A_372 : i32
        %gt3A_374 = arith.constant 0 : i32
        %gt3A_375 = arith.cmpi sgt, %scan3A_303, %gt3A_374 : i32
        %or3A_376 = arith.ori %gt3A_373, %gt3A_375 : i1
        %convert_element_type3A_377 = arith.extui %or3A_376 : i1 to i32
        %cond3A_378 = arith.constant 0 : i32
        %cond3A_379 = arith.cmpi ne, %convert_element_type3A_377, %cond3A_378 : i32
        scf.if %cond3A_379 {
          %dma_wait3A_508 = arith.constant 3 : i32
          %dma_wait3A_509 = arith.constant 0 : i32
          %dma_wait3A_510 = arith.constant 3 : i32
          %dma_wait3A_511 = arith.constant 0 : i32
          %dma_wait3A_512 = arith.constant 0 : i32
          %dma_wait3A_513 = tpu.memref_slice %arg9[%dma_wait3A_508, %dma_wait3A_511, %dma_wait3A_512] : memref<4x64x128xf32, #tpu.memory_space<vmem>> -> memref<1x64x128xf32, #tpu.memory_space<vmem>>
          %dma_wait3A_514 = tpu.memref_squeeze %dma_wait3A_513 : memref<1x64x128xf32, #tpu.memory_space<vmem>> -> memref<64x128xf32, #tpu.memory_space<vmem>>
          %dma_wait3A_515 = arith.constant 0 : i32
          %dma_wait3A_516 = tpu.memref_slice %arg8[%dma_wait3A_509, %dma_wait3A_510, %dma_wait3A_515] : memref<2x40x64xi32, #tpu.memory_space<vmem>> -> memref<1x1x64xi32, #tpu.memory_space<vmem>>
          %dma_wait3A_517 = tpu.memref_squeeze %dma_wait3A_516 : memref<1x1x64xi32, #tpu.memory_space<vmem>> -> memref<64xi32, #tpu.memory_space<vmem>>
          %dma_wait3A_518 = arith.constant 0 : i32
          %dma_wait3A_519 = arith.constant 0 : i32
          %dma_wait3A_520 = tpu.memref_slice %arg10[%dma_wait3A_518, %dma_wait3A_519] : memref<10368x128xf32, #tpu.memory_space<vmem_shared>> -> memref<10368x128xf32, #tpu.memory_space<vmem_shared>>
          tpu.wait_indirect_dma semaphore(%arg18 : memref<!tpu.dma_semaphore, #tpu.memory_space<semaphore_mem>>) src(%dma_wait3A_514 : memref<64x128xf32, #tpu.memory_space<vmem>>) dst(%dma_wait3A_520 : memref<10368x128xf32, #tpu.memory_space<vmem_shared>>)
        } else {
        }
        %mul3A_380 = arith.constant 4 : i32
        %mul3A_381 = arith.muli %scan3A_303, %mul3A_380 : i32
        %add3A_382 = arith.constant 3 : i32
        %add3A_383 = arith.addi %mul3A_381, %add3A_382 : i32
        %dma_start3A_384 = arith.constant 1 : i32
        %dma_start3A_385 = arith.constant 3 : i32
        %dma_start3A_386 = arith.constant 0 : i32
        %dma_start3A_387 = arith.constant 0 : i32
        %dma_start3A_388 = tpu.memref_slice %arg9[%dma_start3A_385, %dma_start3A_386, %dma_start3A_387] : memref<4x64x128xf32, #tpu.memory_space<vmem>> -> memref<1x64x128xf32, #tpu.memory_space<vmem>>
        %dma_start3A_389 = tpu.memref_squeeze %dma_start3A_388 : memref<1x64x128xf32, #tpu.memory_space<vmem>> -> memref<64x128xf32, #tpu.memory_space<vmem>>
        %dma_start3A_390 = arith.constant 0 : i32
        %dma_start3A_391 = tpu.memref_slice %arg7[%dma_start3A_384, %add3A_383, %dma_start3A_390] : memref<2x40x64xi32, #tpu.memory_space<vmem>> -> memref<1x1x64xi32, #tpu.memory_space<vmem>>
        %dma_start3A_392 = tpu.memref_squeeze %dma_start3A_391 : memref<1x1x64xi32, #tpu.memory_space<vmem>> -> memref<64xi32, #tpu.memory_space<vmem>>
        %dma_start3A_393 = arith.constant 0 : i32
        %dma_start3A_394 = arith.constant 0 : i32
        %dma_start3A_395 = tpu.memref_slice %arg2[%dma_start3A_393, %dma_start3A_394] : memref<52048x128xf32, #tpu.memory_space<hbm>> -> memref<52048x128xf32, #tpu.memory_space<hbm>>
        tpu.enqueue_indirect_dma source(%dma_start3A_395 : memref<52048x128xf32, #tpu.memory_space<hbm>>) target(%dma_start3A_389 : memref<64x128xf32, #tpu.memory_space<vmem>>) offsets(%dma_start3A_392 : memref<64xi32, #tpu.memory_space<vmem>>) semaphore(%arg14 : memref<!tpu.dma_semaphore, #tpu.memory_space<semaphore_mem>>)
        %dma_wait3A_396 = arith.constant 1 : i32
        %dma_wait3A_397 = arith.constant 0 : i32
        %dma_wait3A_398 = arith.constant 0 : i32
        %dma_wait3A_399 = arith.constant 0 : i32
        %dma_wait3A_400 = tpu.memref_slice %arg9[%dma_wait3A_397, %dma_wait3A_398, %dma_wait3A_399] : memref<4x64x128xf32, #tpu.memory_space<vmem>> -> memref<1x64x128xf32, #tpu.memory_space<vmem>>
        %dma_wait3A_401 = tpu.memref_squeeze %dma_wait3A_400 : memref<1x64x128xf32, #tpu.memory_space<vmem>> -> memref<64x128xf32, #tpu.memory_space<vmem>>
        %dma_wait3A_402 = arith.constant 0 : i32
        %dma_wait3A_403 = tpu.memref_slice %arg7[%dma_wait3A_396, %add3A_311, %dma_wait3A_402] : memref<2x40x64xi32, #tpu.memory_space<vmem>> -> memref<1x1x64xi32, #tpu.memory_space<vmem>>
        %dma_wait3A_404 = tpu.memref_squeeze %dma_wait3A_403 : memref<1x1x64xi32, #tpu.memory_space<vmem>> -> memref<64xi32, #tpu.memory_space<vmem>>
        %dma_wait3A_405 = arith.constant 0 : i32
        %dma_wait3A_406 = arith.constant 0 : i32
        %dma_wait3A_407 = tpu.memref_slice %arg2[%dma_wait3A_405, %dma_wait3A_406] : memref<52048x128xf32, #tpu.memory_space<hbm>> -> memref<52048x128xf32, #tpu.memory_space<hbm>>
        tpu.wait_indirect_dma semaphore(%arg11 : memref<!tpu.dma_semaphore, #tpu.memory_space<semaphore_mem>>) src(%dma_wait3A_407 : memref<52048x128xf32, #tpu.memory_space<hbm>>) dst(%dma_wait3A_401 : memref<64x128xf32, #tpu.memory_space<vmem>>)
        %mul3A_408 = arith.constant 4 : i32
        %mul3A_409 = arith.muli %scan3A_303, %mul3A_408 : i32
        %add3A_410 = arith.constant 0 : i32
        %add3A_411 = arith.addi %mul3A_409, %add3A_410 : i32
        %dma_start3A_412 = arith.constant 0 : i32
        %dma_start3A_413 = arith.constant 1 : i32
        %dma_start3A_414 = arith.constant 0 : i32
        %dma_start3A_415 = arith.constant 0 : i32
        %dma_start3A_416 = tpu.memref_slice %arg9[%dma_start3A_412, %dma_start3A_414, %dma_start3A_415] : memref<4x64x128xf32, #tpu.memory_space<vmem>> -> memref<1x64x128xf32, #tpu.memory_space<vmem>>
        %dma_start3A_417 = tpu.memref_squeeze %dma_start3A_416 : memref<1x64x128xf32, #tpu.memory_space<vmem>> -> memref<64x128xf32, #tpu.memory_space<vmem>>
        %dma_start3A_418 = arith.constant 0 : i32
        %dma_start3A_419 = tpu.memref_slice %arg8[%dma_start3A_413, %add3A_411, %dma_start3A_418] : memref<2x40x64xi32, #tpu.memory_space<vmem>> -> memref<1x1x64xi32, #tpu.memory_space<vmem>>
        %dma_start3A_420 = tpu.memref_squeeze %dma_start3A_419 : memref<1x1x64xi32, #tpu.memory_space<vmem>> -> memref<64xi32, #tpu.memory_space<vmem>>
        %dma_start3A_421 = arith.constant 0 : i32
        %dma_start3A_422 = arith.constant 0 : i32
        %dma_start3A_423 = tpu.memref_slice %arg10[%dma_start3A_421, %dma_start3A_422] : memref<10368x128xf32, #tpu.memory_space<vmem_shared>> -> memref<10368x128xf32, #tpu.memory_space<vmem_shared>>
        tpu.enqueue_indirect_dma source(%dma_start3A_417 : memref<64x128xf32, #tpu.memory_space<vmem>>) target(%dma_start3A_423 : memref<10368x128xf32, #tpu.memory_space<vmem_shared>>) offsets(%dma_start3A_420 : memref<64xi32, #tpu.memory_space<vmem>>) semaphore(%arg15 : memref<!tpu.dma_semaphore, #tpu.memory_space<semaphore_mem>>) {add = true}
        %dma_wait3A_424 = arith.constant 1 : i32
        %dma_wait3A_425 = arith.constant 1 : i32
        %dma_wait3A_426 = arith.constant 0 : i32
        %dma_wait3A_427 = arith.constant 0 : i32
        %dma_wait3A_428 = tpu.memref_slice %arg9[%dma_wait3A_425, %dma_wait3A_426, %dma_wait3A_427] : memref<4x64x128xf32, #tpu.memory_space<vmem>> -> memref<1x64x128xf32, #tpu.memory_space<vmem>>
        %dma_wait3A_429 = tpu.memref_squeeze %dma_wait3A_428 : memref<1x64x128xf32, #tpu.memory_space<vmem>> -> memref<64x128xf32, #tpu.memory_space<vmem>>
        %dma_wait3A_430 = arith.constant 0 : i32
        %dma_wait3A_431 = tpu.memref_slice %arg7[%dma_wait3A_424, %add3A_335, %dma_wait3A_430] : memref<2x40x64xi32, #tpu.memory_space<vmem>> -> memref<1x1x64xi32, #tpu.memory_space<vmem>>
        %dma_wait3A_432 = tpu.memref_squeeze %dma_wait3A_431 : memref<1x1x64xi32, #tpu.memory_space<vmem>> -> memref<64xi32, #tpu.memory_space<vmem>>
        %dma_wait3A_433 = arith.constant 0 : i32
        %dma_wait3A_434 = arith.constant 0 : i32
        %dma_wait3A_435 = tpu.memref_slice %arg2[%dma_wait3A_433, %dma_wait3A_434] : memref<52048x128xf32, #tpu.memory_space<hbm>> -> memref<52048x128xf32, #tpu.memory_space<hbm>>
        tpu.wait_indirect_dma semaphore(%arg12 : memref<!tpu.dma_semaphore, #tpu.memory_space<semaphore_mem>>) src(%dma_wait3A_435 : memref<52048x128xf32, #tpu.memory_space<hbm>>) dst(%dma_wait3A_429 : memref<64x128xf32, #tpu.memory_space<vmem>>)
        %mul3A_436 = arith.constant 4 : i32
        %mul3A_437 = arith.muli %scan3A_303, %mul3A_436 : i32
        %add3A_438 = arith.constant 1 : i32
        %add3A_439 = arith.addi %mul3A_437, %add3A_438 : i32
        %dma_start3A_440 = arith.constant 1 : i32
        %dma_start3A_441 = arith.constant 1 : i32
        %dma_start3A_442 = arith.constant 0 : i32
        %dma_start3A_443 = arith.constant 0 : i32
        %dma_start3A_444 = tpu.memref_slice %arg9[%dma_start3A_440, %dma_start3A_442, %dma_start3A_443] : memref<4x64x128xf32, #tpu.memory_space<vmem>> -> memref<1x64x128xf32, #tpu.memory_space<vmem>>
        %dma_start3A_445 = tpu.memref_squeeze %dma_start3A_444 : memref<1x64x128xf32, #tpu.memory_space<vmem>> -> memref<64x128xf32, #tpu.memory_space<vmem>>
        %dma_start3A_446 = arith.constant 0 : i32
        %dma_start3A_447 = tpu.memref_slice %arg8[%dma_start3A_441, %add3A_439, %dma_start3A_446] : memref<2x40x64xi32, #tpu.memory_space<vmem>> -> memref<1x1x64xi32, #tpu.memory_space<vmem>>
        %dma_start3A_448 = tpu.memref_squeeze %dma_start3A_447 : memref<1x1x64xi32, #tpu.memory_space<vmem>> -> memref<64xi32, #tpu.memory_space<vmem>>
        %dma_start3A_449 = arith.constant 0 : i32
        %dma_start3A_450 = arith.constant 0 : i32
        %dma_start3A_451 = tpu.memref_slice %arg10[%dma_start3A_449, %dma_start3A_450] : memref<10368x128xf32, #tpu.memory_space<vmem_shared>> -> memref<10368x128xf32, #tpu.memory_space<vmem_shared>>
        tpu.enqueue_indirect_dma source(%dma_start3A_445 : memref<64x128xf32, #tpu.memory_space<vmem>>) target(%dma_start3A_451 : memref<10368x128xf32, #tpu.memory_space<vmem_shared>>) offsets(%dma_start3A_448 : memref<64xi32, #tpu.memory_space<vmem>>) semaphore(%arg16 : memref<!tpu.dma_semaphore, #tpu.memory_space<semaphore_mem>>) {add = true}
        %dma_wait3A_452 = arith.constant 1 : i32
        %dma_wait3A_453 = arith.constant 2 : i32
        %dma_wait3A_454 = arith.constant 0 : i32
        %dma_wait3A_455 = arith.constant 0 : i32
        %dma_wait3A_456 = tpu.memref_slice %arg9[%dma_wait3A_453, %dma_wait3A_454, %dma_wait3A_455] : memref<4x64x128xf32, #tpu.memory_space<vmem>> -> memref<1x64x128xf32, #tpu.memory_space<vmem>>
        %dma_wait3A_457 = tpu.memref_squeeze %dma_wait3A_456 : memref<1x64x128xf32, #tpu.memory_space<vmem>> -> memref<64x128xf32, #tpu.memory_space<vmem>>
        %dma_wait3A_458 = arith.constant 0 : i32
        %dma_wait3A_459 = tpu.memref_slice %arg7[%dma_wait3A_452, %add3A_359, %dma_wait3A_458] : memref<2x40x64xi32, #tpu.memory_space<vmem>> -> memref<1x1x64xi32, #tpu.memory_space<vmem>>
        %dma_wait3A_460 = tpu.memref_squeeze %dma_wait3A_459 : memref<1x1x64xi32, #tpu.memory_space<vmem>> -> memref<64xi32, #tpu.memory_space<vmem>>
        %dma_wait3A_461 = arith.constant 0 : i32
        %dma_wait3A_462 = arith.constant 0 : i32
        %dma_wait3A_463 = tpu.memref_slice %arg2[%dma_wait3A_461, %dma_wait3A_462] : memref<52048x128xf32, #tpu.memory_space<hbm>> -> memref<52048x128xf32, #tpu.memory_space<hbm>>
        tpu.wait_indirect_dma semaphore(%arg13 : memref<!tpu.dma_semaphore, #tpu.memory_space<semaphore_mem>>) src(%dma_wait3A_463 : memref<52048x128xf32, #tpu.memory_space<hbm>>) dst(%dma_wait3A_457 : memref<64x128xf32, #tpu.memory_space<vmem>>)
        %mul3A_464 = arith.constant 4 : i32
        %mul3A_465 = arith.muli %scan3A_303, %mul3A_464 : i32
        %add3A_466 = arith.constant 2 : i32
        %add3A_467 = arith.addi %mul3A_465, %add3A_466 : i32
        %dma_start3A_468 = arith.constant 2 : i32
        %dma_start3A_469 = arith.constant 1 : i32
        %dma_start3A_470 = arith.constant 0 : i32
        %dma_start3A_471 = arith.constant 0 : i32
        %dma_start3A_472 = tpu.memref_slice %arg9[%dma_start3A_468, %dma_start3A_470, %dma_start3A_471] : memref<4x64x128xf32, #tpu.memory_space<vmem>> -> memref<1x64x128xf32, #tpu.memory_space<vmem>>
        %dma_start3A_473 = tpu.memref_squeeze %dma_start3A_472 : memref<1x64x128xf32, #tpu.memory_space<vmem>> -> memref<64x128xf32, #tpu.memory_space<vmem>>
        %dma_start3A_474 = arith.constant 0 : i32
        %dma_start3A_475 = tpu.memref_slice %arg8[%dma_start3A_469, %add3A_467, %dma_start3A_474] : memref<2x40x64xi32, #tpu.memory_space<vmem>> -> memref<1x1x64xi32, #tpu.memory_space<vmem>>
        %dma_start3A_476 = tpu.memref_squeeze %dma_start3A_475 : memref<1x1x64xi32, #tpu.memory_space<vmem>> -> memref<64xi32, #tpu.memory_space<vmem>>
        %dma_start3A_477 = arith.constant 0 : i32
        %dma_start3A_478 = arith.constant 0 : i32
        %dma_start3A_479 = tpu.memref_slice %arg10[%dma_start3A_477, %dma_start3A_478] : memref<10368x128xf32, #tpu.memory_space<vmem_shared>> -> memref<10368x128xf32, #tpu.memory_space<vmem_shared>>
        tpu.enqueue_indirect_dma source(%dma_start3A_473 : memref<64x128xf32, #tpu.memory_space<vmem>>) target(%dma_start3A_479 : memref<10368x128xf32, #tpu.memory_space<vmem_shared>>) offsets(%dma_start3A_476 : memref<64xi32, #tpu.memory_space<vmem>>) semaphore(%arg17 : memref<!tpu.dma_semaphore, #tpu.memory_space<semaphore_mem>>) {add = true}
        %dma_wait3A_480 = arith.constant 1 : i32
        %dma_wait3A_481 = arith.constant 3 : i32
        %dma_wait3A_482 = arith.constant 0 : i32
        %dma_wait3A_483 = arith.constant 0 : i32
        %dma_wait3A_484 = tpu.memref_slice %arg9[%dma_wait3A_481, %dma_wait3A_482, %dma_wait3A_483] : memref<4x64x128xf32, #tpu.memory_space<vmem>> -> memref<1x64x128xf32, #tpu.memory_space<vmem>>
        %dma_wait3A_485 = tpu.memref_squeeze %dma_wait3A_484 : memref<1x64x128xf32, #tpu.memory_space<vmem>> -> memref<64x128xf32, #tpu.memory_space<vmem>>
        %dma_wait3A_486 = arith.constant 0 : i32
        %dma_wait3A_487 = tpu.memref_slice %arg7[%dma_wait3A_480, %add3A_383, %dma_wait3A_486] : memref<2x40x64xi32, #tpu.memory_space<vmem>> -> memref<1x1x64xi32, #tpu.memory_space<vmem>>
        %dma_wait3A_488 = tpu.memref_squeeze %dma_wait3A_487 : memref<1x1x64xi32, #tpu.memory_space<vmem>> -> memref<64xi32, #tpu.memory_space<vmem>>
        %dma_wait3A_489 = arith.constant 0 : i32
        %dma_wait3A_490 = arith.constant 0 : i32
        %dma_wait3A_491 = tpu.memref_slice %arg2[%dma_wait3A_489, %dma_wait3A_490] : memref<52048x128xf32, #tpu.memory_space<hbm>> -> memref<52048x128xf32, #tpu.memory_space<hbm>>
        tpu.wait_indirect_dma semaphore(%arg14 : memref<!tpu.dma_semaphore, #tpu.memory_space<semaphore_mem>>) src(%dma_wait3A_491 : memref<52048x128xf32, #tpu.memory_space<hbm>>) dst(%dma_wait3A_485 : memref<64x128xf32, #tpu.memory_space<vmem>>)
        %mul3A_492 = arith.constant 4 : i32
        %mul3A_493 = arith.muli %scan3A_303, %mul3A_492 : i32
        %add3A_494 = arith.constant 3 : i32
        %add3A_495 = arith.addi %mul3A_493, %add3A_494 : i32
        %dma_start3A_496 = arith.constant 3 : i32
        %dma_start3A_497 = arith.constant 1 : i32
        %dma_start3A_498 = arith.constant 0 : i32
        %dma_start3A_499 = arith.constant 0 : i32
        %dma_start3A_500 = tpu.memref_slice %arg9[%dma_start3A_496, %dma_start3A_498, %dma_start3A_499] : memref<4x64x128xf32, #tpu.memory_space<vmem>> -> memref<1x64x128xf32, #tpu.memory_space<vmem>>
        %dma_start3A_501 = tpu.memref_squeeze %dma_start3A_500 : memref<1x64x128xf32, #tpu.memory_space<vmem>> -> memref<64x128xf32, #tpu.memory_space<vmem>>
        %dma_start3A_502 = arith.constant 0 : i32
        %dma_start3A_503 = tpu.memref_slice %arg8[%dma_start3A_497, %add3A_495, %dma_start3A_502] : memref<2x40x64xi32, #tpu.memory_space<vmem>> -> memref<1x1x64xi32, #tpu.memory_space<vmem>>
        %dma_start3A_504 = tpu.memref_squeeze %dma_start3A_503 : memref<1x1x64xi32, #tpu.memory_space<vmem>> -> memref<64xi32, #tpu.memory_space<vmem>>
        %dma_start3A_505 = arith.constant 0 : i32
        %dma_start3A_506 = arith.constant 0 : i32
        %dma_start3A_507 = tpu.memref_slice %arg10[%dma_start3A_505, %dma_start3A_506] : memref<10368x128xf32, #tpu.memory_space<vmem_shared>> -> memref<10368x128xf32, #tpu.memory_space<vmem_shared>>
        tpu.enqueue_indirect_dma source(%dma_start3A_501 : memref<64x128xf32, #tpu.memory_space<vmem>>) target(%dma_start3A_507 : memref<10368x128xf32, #tpu.memory_space<vmem_shared>>) offsets(%dma_start3A_504 : memref<64xi32, #tpu.memory_space<vmem>>) semaphore(%arg18 : memref<!tpu.dma_semaphore, #tpu.memory_space<semaphore_mem>>) {add = true}
      }
      %scan3A_266 = arith.constant 10 : i32
      %dma_wait3A_267 = arith.constant 0 : i32
      %dma_wait3A_268 = arith.constant 0 : i32
      %dma_wait3A_269 = arith.constant 0 : i32
      %dma_wait3A_270 = tpu.memref_slice %arg7[%dma_wait3A_267, %dma_wait3A_268, %dma_wait3A_269] : memref<2x40x64xi32, #tpu.memory_space<vmem>> -> memref<1x40x64xi32, #tpu.memory_space<vmem>>
      %dma_wait3A_271 = tpu.memref_squeeze %dma_wait3A_270 : memref<1x40x64xi32, #tpu.memory_space<vmem>> -> memref<40x64xi32, #tpu.memory_space<vmem>>
      %dma_wait3A_272 = arith.constant 0 : i32
      %dma_wait3A_273 = tpu.memref_slice %arg3[%add3A, %mul3A_228, %dma_wait3A_272] : memref<32x400x64xi32, #tpu.memory_space<hbm>> -> memref<1x40x64xi32, #tpu.memory_space<hbm>>
      %dma_wait3A_274 = tpu.memref_squeeze %dma_wait3A_273 : memref<1x40x64xi32, #tpu.memory_space<hbm>> -> memref<40x64xi32, #tpu.memory_space<hbm>>
      %dma_wait3A_275 = arith.constant 0 : i32
      %dma_wait3A_276 = arith.constant 0 : i32
      %dma_wait3A_277 = tpu.memref_slice %arg7[%dma_wait3A_267, %dma_wait3A_275, %dma_wait3A_276] : memref<2x40x64xi32, #tpu.memory_space<vmem>> -> memref<1x40x64xi32, #tpu.memory_space<vmem>>
      %dma_wait3A_278 = tpu.memref_squeeze %dma_wait3A_277 : memref<1x40x64xi32, #tpu.memory_space<vmem>> -> memref<40x64xi32, #tpu.memory_space<vmem>>
      %dma_wait3A_279 = arith.constant 0 : i32
      %dma_wait3A_280 = tpu.memref_slice %arg3[%add3A, %mul3A_228, %dma_wait3A_279] : memref<32x400x64xi32, #tpu.memory_space<hbm>> -> memref<1x40x64xi32, #tpu.memory_space<hbm>>
      %dma_wait3A_281 = tpu.memref_squeeze %dma_wait3A_280 : memref<1x40x64xi32, #tpu.memory_space<hbm>> -> memref<40x64xi32, #tpu.memory_space<hbm>>
      tpu.wait_dma2 semaphore(%arg19 : memref<!tpu.dma_semaphore, #tpu.memory_space<semaphore_mem>>) src(%dma_wait3A_281 : memref<40x64xi32, #tpu.memory_space<hbm>>) dst(%dma_wait3A_278 : memref<40x64xi32, #tpu.memory_space<vmem>>)
      %dma_wait3A_282 = arith.constant 0 : i32
      %dma_wait3A_283 = arith.constant 0 : i32
      %dma_wait3A_284 = arith.constant 0 : i32
      %dma_wait3A_285 = tpu.memref_slice %arg8[%dma_wait3A_282, %dma_wait3A_283, %dma_wait3A_284] : memref<2x40x64xi32, #tpu.memory_space<vmem>> -> memref<1x40x64xi32, #tpu.memory_space<vmem>>
      %dma_wait3A_286 = tpu.memref_squeeze %dma_wait3A_285 : memref<1x40x64xi32, #tpu.memory_space<vmem>> -> memref<40x64xi32, #tpu.memory_space<vmem>>
      %dma_wait3A_287 = arith.constant 0 : i32
      %dma_wait3A_288 = tpu.memref_slice %arg4[%add3A, %mul3A_245, %dma_wait3A_287] : memref<32x400x64xi32, #tpu.memory_space<hbm>> -> memref<1x40x64xi32, #tpu.memory_space<hbm>>
      %dma_wait3A_289 = tpu.memref_squeeze %dma_wait3A_288 : memref<1x40x64xi32, #tpu.memory_space<hbm>> -> memref<40x64xi32, #tpu.memory_space<hbm>>
      %dma_wait3A_290 = arith.constant 0 : i32
      %dma_wait3A_291 = arith.constant 0 : i32
      %dma_wait3A_292 = tpu.memref_slice %arg8[%dma_wait3A_282, %dma_wait3A_290, %dma_wait3A_291] : memref<2x40x64xi32, #tpu.memory_space<vmem>> -> memref<1x40x64xi32, #tpu.memory_space<vmem>>
      %dma_wait3A_293 = tpu.memref_squeeze %dma_wait3A_292 : memref<1x40x64xi32, #tpu.memory_space<vmem>> -> memref<40x64xi32, #tpu.memory_space<vmem>>
      %dma_wait3A_294 = arith.constant 0 : i32
      %dma_wait3A_295 = tpu.memref_slice %arg4[%add3A, %mul3A_245, %dma_wait3A_294] : memref<32x400x64xi32, #tpu.memory_space<hbm>> -> memref<1x40x64xi32, #tpu.memory_space<hbm>>
      %dma_wait3A_296 = tpu.memref_squeeze %dma_wait3A_295 : memref<1x40x64xi32, #tpu.memory_space<hbm>> -> memref<40x64xi32, #tpu.memory_space<hbm>>
      tpu.wait_dma2 semaphore(%arg19 : memref<!tpu.dma_semaphore, #tpu.memory_space<semaphore_mem>>) src(%dma_wait3A_296 : memref<40x64xi32, #tpu.memory_space<hbm>>) dst(%dma_wait3A_293 : memref<40x64xi32, #tpu.memory_space<vmem>>)
      %scan3A_297 = arith.constant 0 : i32
      %scan3A_298 = arith.constant 0 : i32
      %scan3A_299 = arith.constant 40 : i32
      %scan3A_300 = arith.addi %scan3A_298, %scan3A_299 : i32
      %scan3A_301 = arith.constant 1 : i32
      scf.for %scan3A_303 = %scan3A_298 to %scan3A_300 step %scan3A_301  : i32 {
        %get3A = arith.constant 0 : i32
        %get3A_304 = arith.index_cast %get3A : i32 to index
        %get3A_305 = arith.index_cast %scan3A_303 : i32 to index
        %get3A_306 = arith.constant 0 : index
        %get3A_307 = tpu.vector_load %arg7[%get3A_304, %get3A_305, %get3A_306] {strides = array<i32>} : memref<2x40x64xi32, #tpu.memory_space<vmem>>, vector<1x1x16xi32>,
        %get3A_308 = vector.shape_cast %get3A_307 : vector<1x1x16xi32> to vector<16xi32>
        %lt3A_309 = arith.constant 10000 : i32
        %lt3A_310 = vector.broadcast %lt3A_309 : i32 to vector<16xi32>
        %lt3A_311 = arith.cmpi slt, %get3A_308, %lt3A_310 : vector<16xi32>
        %and3A = arith.constant 2047 : i32
        %and3A_312 = vector.broadcast %and3A : i32 to vector<16xi32>
        %and3A_313 = arith.andi %get3A_308, %and3A_312 : vector<16xi32>
        %add3A_314 = arith.constant 50000 : i32
        %add3A_315 = vector.broadcast %add3A_314 : i32 to vector<16xi32>
        %add3A_316 = arith.addi %add3A_315, %and3A_313 : vector<16xi32>
        %select_n3A_317 = arith.select %lt3A_311, %add3A_316, %get3A_308 : vector<16xi1>, vector<16xi32>
        %swap3A = arith.constant 0 : i32
        %swap3A_318 = arith.index_cast %swap3A : i32 to index
        %swap3A_319 = arith.index_cast %scan3A_303 : i32 to index
        %swap3A_320 = arith.constant 0 : index
        %swap3A_321 = tpu.vector_load %arg7[%swap3A_318, %swap3A_319, %swap3A_320] {strides = array<i32>} : memref<2x40x64xi32, #tpu.memory_space<vmem>>, vector<1x1x16xi32>,
        %swap3A_322 = vector.shape_cast %swap3A_321 : vector<1x1x16xi32> to vector<16xi32>
        %swap3A_323 = vector.shape_cast %select_n3A_317 : vector<16xi32> to vector<1x1x16xi32>
        tpu.vector_store %arg7[%swap3A_318, %swap3A_319, %swap3A_320], %swap3A_323 {strides = array<i32>} : memref<2x40x64xi32, #tpu.memory_space<vmem>>, vector<1x1x16xi32>,
        %get3A_324 = arith.constant 0 : i32
        %get3A_325 = arith.index_cast %get3A_324 : i32 to index
        %get3A_326 = arith.index_cast %scan3A_303 : i32 to index
        %get3A_327 = arith.constant 16 : index
        %get3A_328 = tpu.vector_load %arg7[%get3A_325, %get3A_326, %get3A_327] {strides = array<i32>} : memref<2x40x64xi32, #tpu.memory_space<vmem>>, vector<1x1x16xi32>,
        %get3A_329 = vector.shape_cast %get3A_328 : vector<1x1x16xi32> to vector<16xi32>
        %lt3A_330 = arith.constant 10000 : i32
        %lt3A_331 = vector.broadcast %lt3A_330 : i32 to vector<16xi32>
        %lt3A_332 = arith.cmpi slt, %get3A_329, %lt3A_331 : vector<16xi32>
        %and3A_333 = arith.constant 2047 : i32
        %and3A_334 = vector.broadcast %and3A_333 : i32 to vector<16xi32>
        %and3A_335 = arith.andi %get3A_329, %and3A_334 : vector<16xi32>
        %add3A_336 = arith.constant 50000 : i32
        %add3A_337 = vector.broadcast %add3A_336 : i32 to vector<16xi32>
        %add3A_338 = arith.addi %add3A_337, %and3A_335 : vector<16xi32>
        %select_n3A_339 = arith.select %lt3A_332, %add3A_338, %get3A_329 : vector<16xi1>, vector<16xi32>
        %swap3A_340 = arith.constant 0 : i32
        %swap3A_341 = arith.index_cast %swap3A_340 : i32 to index
        %swap3A_342 = arith.index_cast %scan3A_303 : i32 to index
        %swap3A_343 = arith.constant 16 : index
        %swap3A_344 = tpu.vector_load %arg7[%swap3A_341, %swap3A_342, %swap3A_343] {strides = array<i32>} : memref<2x40x64xi32, #tpu.memory_space<vmem>>, vector<1x1x16xi32>,
        %swap3A_345 = vector.shape_cast %swap3A_344 : vector<1x1x16xi32> to vector<16xi32>
        %swap3A_346 = vector.shape_cast %select_n3A_339 : vector<16xi32> to vector<1x1x16xi32>
        tpu.vector_store %arg7[%swap3A_341, %swap3A_342, %swap3A_343], %swap3A_346 {strides = array<i32>} : memref<2x40x64xi32, #tpu.memory_space<vmem>>, vector<1x1x16xi32>,
        %get3A_347 = arith.constant 0 : i32
        %get3A_348 = arith.index_cast %get3A_347 : i32 to index
        %get3A_349 = arith.index_cast %scan3A_303 : i32 to index
        %get3A_350 = arith.constant 32 : index
        %get3A_351 = tpu.vector_load %arg7[%get3A_348, %get3A_349, %get3A_350] {strides = array<i32>} : memref<2x40x64xi32, #tpu.memory_space<vmem>>, vector<1x1x16xi32>,
        %get3A_352 = vector.shape_cast %get3A_351 : vector<1x1x16xi32> to vector<16xi32>
        %lt3A_353 = arith.constant 10000 : i32
        %lt3A_354 = vector.broadcast %lt3A_353 : i32 to vector<16xi32>
        %lt3A_355 = arith.cmpi slt, %get3A_352, %lt3A_354 : vector<16xi32>
        %and3A_356 = arith.constant 2047 : i32
        %and3A_357 = vector.broadcast %and3A_356 : i32 to vector<16xi32>
        %and3A_358 = arith.andi %get3A_352, %and3A_357 : vector<16xi32>
        %add3A_359 = arith.constant 50000 : i32
        %add3A_360 = vector.broadcast %add3A_359 : i32 to vector<16xi32>
        %add3A_361 = arith.addi %add3A_360, %and3A_358 : vector<16xi32>
        %select_n3A_362 = arith.select %lt3A_355, %add3A_361, %get3A_352 : vector<16xi1>, vector<16xi32>
        %swap3A_363 = arith.constant 0 : i32
        %swap3A_364 = arith.index_cast %swap3A_363 : i32 to index
        %swap3A_365 = arith.index_cast %scan3A_303 : i32 to index
        %swap3A_366 = arith.constant 32 : index
        %swap3A_367 = tpu.vector_load %arg7[%swap3A_364, %swap3A_365, %swap3A_366] {strides = array<i32>} : memref<2x40x64xi32, #tpu.memory_space<vmem>>, vector<1x1x16xi32>,
        %swap3A_368 = vector.shape_cast %swap3A_367 : vector<1x1x16xi32> to vector<16xi32>
        %swap3A_369 = vector.shape_cast %select_n3A_362 : vector<16xi32> to vector<1x1x16xi32>
        tpu.vector_store %arg7[%swap3A_364, %swap3A_365, %swap3A_366], %swap3A_369 {strides = array<i32>} : memref<2x40x64xi32, #tpu.memory_space<vmem>>, vector<1x1x16xi32>,
        %get3A_370 = arith.constant 0 : i32
        %get3A_371 = arith.index_cast %get3A_370 : i32 to index
        %get3A_372 = arith.index_cast %scan3A_303 : i32 to index
        %get3A_373 = arith.constant 48 : index
        %get3A_374 = tpu.vector_load %arg7[%get3A_371, %get3A_372, %get3A_373] {strides = array<i32>} : memref<2x40x64xi32, #tpu.memory_space<vmem>>, vector<1x1x16xi32>,
        %get3A_375 = vector.shape_cast %get3A_374 : vector<1x1x16xi32> to vector<16xi32>
        %lt3A_376 = arith.constant 10000 : i32
        %lt3A_377 = vector.broadcast %lt3A_376 : i32 to vector<16xi32>
        %lt3A_378 = arith.cmpi slt, %get3A_375, %lt3A_377 : vector<16xi32>
        %and3A_379 = arith.constant 2047 : i32
        %and3A_380 = vector.broadcast %and3A_379 : i32 to vector<16xi32>
        %and3A_381 = arith.andi %get3A_375, %and3A_380 : vector<16xi32>
        %add3A_382 = arith.constant 50000 : i32
        %add3A_383 = vector.broadcast %add3A_382 : i32 to vector<16xi32>
        %add3A_384 = arith.addi %add3A_383, %and3A_381 : vector<16xi32>
        %select_n3A_385 = arith.select %lt3A_378, %add3A_384, %get3A_375 : vector<16xi1>, vector<16xi32>
        %swap3A_386 = arith.constant 0 : i32
        %swap3A_387 = arith.index_cast %swap3A_386 : i32 to index
        %swap3A_388 = arith.index_cast %scan3A_303 : i32 to index
        %swap3A_389 = arith.constant 48 : index
        %swap3A_390 = tpu.vector_load %arg7[%swap3A_387, %swap3A_388, %swap3A_389] {strides = array<i32>} : memref<2x40x64xi32, #tpu.memory_space<vmem>>, vector<1x1x16xi32>,
        %swap3A_391 = vector.shape_cast %swap3A_390 : vector<1x1x16xi32> to vector<16xi32>
        %swap3A_392 = vector.shape_cast %select_n3A_385 : vector<16xi32> to vector<1x1x16xi32>
        tpu.vector_store %arg7[%swap3A_387, %swap3A_388, %swap3A_389], %swap3A_392 {strides = array<i32>} : memref<2x40x64xi32, #tpu.memory_space<vmem>>, vector<1x1x16xi32>,
      }
      %scan3A_302 = arith.constant 40 : i32
    }
    %scan3A_79 = arith.constant 5 : i32
    %dma_wait3A_80 = arith.constant 0 : i32
    %dma_wait3A_81 = arith.constant 0 : i32
    %dma_wait3A_82 = arith.constant 0 : i32
    %dma_wait3A_83 = arith.constant 0 : i32
    %dma_wait3A_84 = arith.constant 0 : i32
    %dma_wait3A_85 = tpu.memref_slice %arg9[%dma_wait3A_80, %dma_wait3A_83, %dma_wait3A_84] : memref<4x64x128xf32, #tpu.memory_space<vmem>> -> memref<1x64x128xf32, #tpu.memory_space<vmem>>
    %dma_wait3A_86 = tpu.memref_squeeze %dma_wait3A_85 : memref<1x64x128xf32, #tpu.memory_space<vmem>> -> memref<64x128xf32, #tpu.memory_space<vmem>>
    %dma_wait3A_87 = arith.constant 0 : i32
    %dma_wait3A_88 = tpu.memref_slice %arg8[%dma_wait3A_81, %dma_wait3A_82, %dma_wait3A_87] : memref<2x40x64xi32, #tpu.memory_space<vmem>> -> memref<1x1x64xi32, #tpu.memory_space<vmem>>
    %dma_wait3A_89 = tpu.memref_squeeze %dma_wait3A_88 : memref<1x1x64xi32, #tpu.memory_space<vmem>> -> memref<64xi32, #tpu.memory_space<vmem>>
    %dma_wait3A_90 = arith.constant 0 : i32
    %dma_wait3A_91 = arith.constant 0 : i32
    %dma_wait3A_92 = tpu.memref_slice %arg10[%dma_wait3A_90, %dma_wait3A_91] : memref<10368x128xf32, #tpu.memory_space<vmem_shared>> -> memref<10368x128xf32, #tpu.memory_space<vmem_shared>>
    tpu.wait_indirect_dma semaphore(%arg15 : memref<!tpu.dma_semaphore, #tpu.memory_space<semaphore_mem>>) src(%dma_wait3A_86 : memref<64x128xf32, #tpu.memory_space<vmem>>) dst(%dma_wait3A_92 : memref<10368x128xf32, #tpu.memory_space<vmem_shared>>)
    %dma_wait3A_93 = arith.constant 1 : i32
    %dma_wait3A_94 = arith.constant 0 : i32
    %dma_wait3A_95 = arith.constant 1 : i32
    %dma_wait3A_96 = arith.constant 0 : i32
    %dma_wait3A_97 = arith.constant 0 : i32
    %dma_wait3A_98 = tpu.memref_slice %arg9[%dma_wait3A_93, %dma_wait3A_96, %dma_wait3A_97] : memref<4x64x128xf32, #tpu.memory_space<vmem>> -> memref<1x64x128xf32, #tpu.memory_space<vmem>>
    %dma_wait3A_99 = tpu.memref_squeeze %dma_wait3A_98 : memref<1x64x128xf32, #tpu.memory_space<vmem>> -> memref<64x128xf32, #tpu.memory_space<vmem>>
    %dma_wait3A_100 = arith.constant 0 : i32
    %dma_wait3A_101 = tpu.memref_slice %arg8[%dma_wait3A_94, %dma_wait3A_95, %dma_wait3A_100] : memref<2x40x64xi32, #tpu.memory_space<vmem>> -> memref<1x1x64xi32, #tpu.memory_space<vmem>>
    %dma_wait3A_102 = tpu.memref_squeeze %dma_wait3A_101 : memref<1x1x64xi32, #tpu.memory_space<vmem>> -> memref<64xi32, #tpu.memory_space<vmem>>
    %dma_wait3A_103 = arith.constant 0 : i32
    %dma_wait3A_104 = arith.constant 0 : i32
    %dma_wait3A_105 = tpu.memref_slice %arg10[%dma_wait3A_103, %dma_wait3A_104] : memref<10368x128xf32, #tpu.memory_space<vmem_shared>> -> memref<10368x128xf32, #tpu.memory_space<vmem_shared>>
    tpu.wait_indirect_dma semaphore(%arg16 : memref<!tpu.dma_semaphore, #tpu.memory_space<semaphore_mem>>) src(%dma_wait3A_99 : memref<64x128xf32, #tpu.memory_space<vmem>>) dst(%dma_wait3A_105 : memref<10368x128xf32, #tpu.memory_space<vmem_shared>>)
    %dma_wait3A_106 = arith.constant 2 : i32
    %dma_wait3A_107 = arith.constant 0 : i32
    %dma_wait3A_108 = arith.constant 2 : i32
    %dma_wait3A_109 = arith.constant 0 : i32
    %dma_wait3A_110 = arith.constant 0 : i32
    %dma_wait3A_111 = tpu.memref_slice %arg9[%dma_wait3A_106, %dma_wait3A_109, %dma_wait3A_110] : memref<4x64x128xf32, #tpu.memory_space<vmem>> -> memref<1x64x128xf32, #tpu.memory_space<vmem>>
    %dma_wait3A_112 = tpu.memref_squeeze %dma_wait3A_111 : memref<1x64x128xf32, #tpu.memory_space<vmem>> -> memref<64x128xf32, #tpu.memory_space<vmem>>
    %dma_wait3A_113 = arith.constant 0 : i32
    %dma_wait3A_114 = tpu.memref_slice %arg8[%dma_wait3A_107, %dma_wait3A_108, %dma_wait3A_113] : memref<2x40x64xi32, #tpu.memory_space<vmem>> -> memref<1x1x64xi32, #tpu.memory_space<vmem>>
    %dma_wait3A_115 = tpu.memref_squeeze %dma_wait3A_114 : memref<1x1x64xi32, #tpu.memory_space<vmem>> -> memref<64xi32, #tpu.memory_space<vmem>>
    %dma_wait3A_116 = arith.constant 0 : i32
    %dma_wait3A_117 = arith.constant 0 : i32
    %dma_wait3A_118 = tpu.memref_slice %arg10[%dma_wait3A_116, %dma_wait3A_117] : memref<10368x128xf32, #tpu.memory_space<vmem_shared>> -> memref<10368x128xf32, #tpu.memory_space<vmem_shared>>
    tpu.wait_indirect_dma semaphore(%arg17 : memref<!tpu.dma_semaphore, #tpu.memory_space<semaphore_mem>>) src(%dma_wait3A_112 : memref<64x128xf32, #tpu.memory_space<vmem>>) dst(%dma_wait3A_118 : memref<10368x128xf32, #tpu.memory_space<vmem_shared>>)
    %dma_wait3A_119 = arith.constant 3 : i32
    %dma_wait3A_120 = arith.constant 0 : i32
    %dma_wait3A_121 = arith.constant 3 : i32
    %dma_wait3A_122 = arith.constant 0 : i32
    %dma_wait3A_123 = arith.constant 0 : i32
    %dma_wait3A_124 = tpu.memref_slice %arg9[%dma_wait3A_119, %dma_wait3A_122, %dma_wait3A_123] : memref<4x64x128xf32, #tpu.memory_space<vmem>> -> memref<1x64x128xf32, #tpu.memory_space<vmem>>
    %dma_wait3A_125 = tpu.memref_squeeze %dma_wait3A_124 : memref<1x64x128xf32, #tpu.memory_space<vmem>> -> memref<64x128xf32, #tpu.memory_space<vmem>>
    %dma_wait3A_126 = arith.constant 0 : i32
    %dma_wait3A_127 = tpu.memref_slice %arg8[%dma_wait3A_120, %dma_wait3A_121, %dma_wait3A_126] : memref<2x40x64xi32, #tpu.memory_space<vmem>> -> memref<1x1x64xi32, #tpu.memory_space<vmem>>
    %dma_wait3A_128 = tpu.memref_squeeze %dma_wait3A_127 : memref<1x1x64xi32, #tpu.memory_space<vmem>> -> memref<64xi32, #tpu.memory_space<vmem>>
    %dma_wait3A_129 = arith.constant 0 : i32
    %dma_wait3A_130 = arith.constant 0 : i32
    %dma_wait3A_131 = tpu.memref_slice %arg10[%dma_wait3A_129, %dma_wait3A_130] : memref<10368x128xf32, #tpu.memory_space<vmem_shared>> -> memref<10368x128xf32, #tpu.memory_space<vmem_shared>>
    tpu.wait_indirect_dma semaphore(%arg18 : memref<!tpu.dma_semaphore, #tpu.memory_space<semaphore_mem>>) src(%dma_wait3A_125 : memref<64x128xf32, #tpu.memory_space<vmem>>) dst(%dma_wait3A_131 : memref<10368x128xf32, #tpu.memory_space<vmem_shared>>)
    %barrier3A_132 = arith.constant 0 : index
    tpu.barrier barrier_id(%barrier3A_132)
    "tpu.region"() ({
      %run_scoped3A = tpu.sem_alloc : memref<!tpu.dma_semaphore, #tpu.memory_space<semaphore_mem>>
      %dma_start3A_133 = arith.constant 0 : i32
      %dma_start3A_134 = tpu.memref_slice %arg6[%arg0, %mul3A_2, %dma_start3A_133] : memref<2x10368x128xf32, #tpu.memory_space<hbm>> -> memref<1x648x128xf32, #tpu.memory_space<hbm>>
      %dma_start3A_135 = tpu.memref_squeeze %dma_start3A_134 : memref<1x648x128xf32, #tpu.memory_space<hbm>> -> memref<648x128xf32, #tpu.memory_space<hbm>>
      %dma_start3A_136 = arith.constant 0 : i32
      %dma_start3A_137 = tpu.memref_slice %arg10[%mul3A_2, %dma_start3A_136] : memref<10368x128xf32, #tpu.memory_space<vmem_shared>> -> memref<648x128xf32, #tpu.memory_space<vmem_shared>>
      tpu.enqueue_dma source(%dma_start3A_137 : memref<648x128xf32, #tpu.memory_space<vmem_shared>>) target(%dma_start3A_135 : memref<648x128xf32, #tpu.memory_space<hbm>>) target_semaphore(%run_scoped3A : memref<!tpu.dma_semaphore, #tpu.memory_space<semaphore_mem>>)
      %dma_wait3A_138 = arith.constant 0 : i32
      %dma_wait3A_139 = tpu.memref_slice %arg6[%arg0, %mul3A_2, %dma_wait3A_138] : memref<2x10368x128xf32, #tpu.memory_space<hbm>> -> memref<1x648x128xf32, #tpu.memory_space<hbm>>
      %dma_wait3A_140 = tpu.memref_squeeze %dma_wait3A_139 : memref<1x648x128xf32, #tpu.memory_space<hbm>> -> memref<648x128xf32, #tpu.memory_space<hbm>>
      %dma_wait3A_141 = arith.constant 0 : i32
      %dma_wait3A_142 = tpu.memref_slice %arg10[%mul3A_2, %dma_wait3A_141] : memref<10368x128xf32, #tpu.memory_space<vmem_shared>> -> memref<648x128xf32, #tpu.memory_space<vmem_shared>>
      tpu.wait_dma2 semaphore(%run_scoped3A : memref<!tpu.dma_semaphore, #tpu.memory_space<semaphore_mem>>) src(%dma_wait3A_142 : memref<648x128xf32, #tpu.memory_space<vmem_shared>>) dst(%dma_wait3A_140 : memref<648x128xf32, #tpu.memory_space<hbm>>)
      tpu.yield
    }) : () -> ()
    return
  }
}

module attributes {stable_mosaic.version = 14 : i64} {
  func.func @tc_body(%arg0: i32, %arg1: memref<2x400x128xf32, #tpu.memory_space<vmem>>, %arg2: memref<400x96xf32, #tpu.memory_space<vmem>>, %arg3: memref<400x192xf32, #tpu.memory_space<vmem>>) attributes {dimension_semantics = [#tpu.dimension_semantics<arbitrary>], iteration_bounds = array<i64: 25>, scalar_prefetch = 0 : i64, scratch_operands = 0 : i64, tpu.core_type = #tpu.core_type<tc>, window_params = [{transform_indices = @transform_0, window_bounds = array<i64: 2, 400, 128>}, {transform_indices = @transform_1, window_bounds = array<i64: 400, 96>}, {transform_indices = @transform_2, window_bounds = array<i64: 400, 192>}]} {
    %get3A = arith.constant 0 : index
    %get3A_0 = arith.constant 0 : index
    %get3A_1 = arith.constant 0 : index
    %get3A_2 = vector.load %arg1[%get3A, %get3A_0, %get3A_1] : memref<2x400x128xf32, #tpu.memory_space<vmem>>, vector<1x400x128xf32>
    %get3A_3 = vector.shape_cast %get3A_2 : vector<1x400x128xf32> to vector<400x128xf32>
    %get3A_4 = arith.constant 1 : index
    %get3A_5 = arith.constant 0 : index
    %get3A_6 = arith.constant 0 : index
    %get3A_7 = vector.load %arg1[%get3A_4, %get3A_5, %get3A_6] : memref<2x400x128xf32, #tpu.memory_space<vmem>>, vector<1x400x128xf32>
    %get3A_8 = vector.shape_cast %get3A_7 : vector<1x400x128xf32> to vector<400x128xf32>
    %add3A = arith.addf %get3A_3, %get3A_8 : vector<400x128xf32>
    %slice3A = vector.extract_strided_slice %add3A {offsets = [0, 96], sizes = [400, 1], strides = [1, 1]} : vector<400x128xf32> to vector<400x1xf32>
    %max3A = arith.constant 1.000000e+00 : f32
    %max3A_9 = vector.broadcast %max3A : f32 to vector<400x1xf32>
    %max3A_10 = arith.maximumf %slice3A, %max3A_9 : vector<400x1xf32>
    %slice3A_11 = vector.extract_strided_slice %add3A {offsets = [0, 0], sizes = [400, 96], strides = [1, 1]} : vector<400x128xf32> to vector<400x96xf32>
    %div3A = vector.broadcast %max3A_10 : vector<400x1xf32> to vector<400x96xf32>
    %div3A_12 = arith.divf %slice3A_11, %div3A : vector<400x96xf32>
    %get3A_13 = arith.constant 0 : index
    %get3A_14 = arith.constant 0 : index
    %get3A_15 = vector.load %arg2[%get3A_13, %get3A_14] : memref<400x96xf32, #tpu.memory_space<vmem>>, vector<400x96xf32>
    %concatenate3A = tpu.concatenate %div3A_12, %get3A_15 in 1 : vector<400x96xf32>, vector<400x96xf32> -> vector<400x192xf32>
    %swap3A = arith.constant 0 : index
    %swap3A_16 = arith.constant 0 : index
    %swap3A_17 = vector.load %arg3[%swap3A, %swap3A_16] : memref<400x192xf32, #tpu.memory_space<vmem>>, vector<400x192xf32>
    tpu.vector_store %arg3[%swap3A, %swap3A_16], %concatenate3A {strides = array<i32>} : memref<400x192xf32, #tpu.memory_space<vmem>>, vector<400x192xf32>,
    return
  }
  func.func @transform_0(%arg0: i32) -> (i32, i32, i32) {
    %c0_i32 = arith.constant 0 : i32
    %c0_i32_0 = arith.constant 0 : i32
    %c0_i32_1 = arith.constant 0 : i32
    return %c0_i32, %arg0, %c0_i32_0 : i32, i32, i32
  }
  func.func @transform_1(%arg0: i32) -> (i32, i32) {
    %c0_i32 = arith.constant 0 : i32
    %c0_i32_0 = arith.constant 0 : i32
    return %arg0, %c0_i32 : i32, i32
  }
  func.func @transform_2(%arg0: i32) -> (i32, i32) {
    %c0_i32 = arith.constant 0 : i32
    %c0_i32_0 = arith.constant 0 : i32
    return %arg0, %c0_i32 : i32, i32
  }
}

</mosaic_0001>

<sc_bundles>
// kernel: kernel.4.cloned.1.call-start
scs
__scs_entry_jumppad:
0x0: {  	(pc) =	sbr.rel $0x88, $3  }
0x1: {  	(tag) =	ssettag $0x0;
	lr =	simm.s32 $0x1  }
0x2: {  	[smem:$0x3F9E] =	sst lr;
	_ =	strace $0xD0000000  }
0x3: {  	_ = 	snop  }
0x4: {  	_ = 	snop  }
0x5: {  	_ = 	snop  }
0x6: {  	_ = 	snop  }
0x7: {  	_ = 	snop  }
__scs_overlays_trampoline_lowered:
0x8: {  	[smem:$0x3FAD] =	sst s0  }
0x9: {  	[smem:$0x3FAE] =	sst s1  }
0xa: {  	[smem:$0x3FAF] =	sst s2  }
0xb: {  	[smem:$0x3FB0] =	sst s3  }
0xc: {  	[smem:$0x3FB1] =	sst s4  }
0xd: {  	[smem:$0x3FB2] =	sst s5  }
0xe: {  	[smem:$0x3FB3] =	sst s6  }
0xf: {  	[smem:$0x3FB4] =	sst s7  }
0x10: {  	[smem:$0x3FB5] =	sst s8  }
0x11: {  	[smem:$0x3FB6] =	sst s9;
	s0 =	simm.s32 @!p0 $0x0  }
0x12: {  	s1 =	sld [smem:$0x3F9C];
	s0 =	simm.s32 @p0 $0x1  }
0x13: {  	[smem:$0x3FB7] =	sst s0;
	s0 =	simm.s32 @!p1 $0x0  }
0x14: {  	s2 =	sld [smem:$0x3F9B];
	s0 =	simm.s32 @p1 $0x1  }
0x15: {  	[smem:$0x3FB8] =	sst s0;
	s0 =	simm.s32 @!p2 $0x0  }
0x16: {  	s3 =	sld [smem:$0x3FDB];
	s0 =	simm.s32 @p2 $0x1  }
0x17: {  	s4 =	simm.s32 $0x1BF5;
	[smem:$0x3FBA] =	sst s0  }
0x18: {  	s0 =	sld [smem:$0x3F9D];
	_ =	swait.ge [sflag:s4], $0x0  }
0x19: {  	s7 =	sld [smem:$0x3F9E]  }
0x1a: {  	s8 =	sadd.s32 $0xFFFFE003, lr  }
0x1b: {  	s9 =	sadd.s32 $0xFFFFFEF7, lr;
	s5 =	simm.s32 $0xFFFFFFFF;
	p2 =	slt.u32 s8, $0xFFFFF086  }
0x1c: {  	p1 =	slt.u32 s9, $0xF7A;
	s5 =	simm.s32 @!p2 $0x0  }
0x1d: {  	s5 =	simm.s32 @p1 $0x1;
	p0 =	seq.s32 s7, s2  }
0x1e: {  	s7 =	smul.u32 @!p0 $0xF7A, s2;
	p2 =	seq.s32 @!p0 s5, $0x0  }
0x1f: {  	s9 =	smul.u32 $0xF7A, s1;
	s8 =	simm.s32 @!p0 $0x1BF5;
	p2 =	por !p2, p0  }
0x20: {  	[sflag:s8] =	ssyncset.s32 @!p0 $0xFFFFF086;
	s6 =	sadd.s32 @!p0 s3, s7;
	s7 =	simm.s32 @!p0 $0x108  }
0x21: {  	s3 =	sadd.s32 s3, s9;
	s6 =	sadd.s32 @!p0 $0x88, s6;
	s7 =	simm.s32 @p2 $0x1082  }
0x22: {  	[simem:s7], [sflag:s8] =	dma.local @!p0 [hbm:s6], $0xF7A  }
0x23: {  	s9 =	sor.u32 $0xD0000000, s2;
	s6 =	simm.s32 $0x108;
	_ =	swait.ge @!p0 [sflag:s8], $0x0  }
0x24: {  	s3 =	sadd.s32 $0x88, s3;
	s6 =	simm.s32 @!p1 $0x1082;
	[sflag:s4] =	ssyncset.s32 $0xFFFFF086  }
0x25: {  	[simem:s6], [sflag:s4] =	dma.local [hbm:s3], $0xF7A  }
0x26: {  	[smem:$0x3F9E] =	sst s1;
	(tag) =	ssettag s2;
	_ =	strace s9  }
0x27: {  	s1 =	sld [smem:$0x3FAE]  }
0x28: {  	s2 =	sld [smem:$0x3FAF]  }
0x29: {  	s4 =	sld [smem:$0x3FB1]  }
0x2a: {  	p0 =	seq.s32 s5, $0x0;
	s5 =	sld [smem:$0x3FB2]  }
0x2b: {  	s6 =	sld [smem:$0x3FB3]  }
0x2c: {  	s7 =	sld [smem:$0x3FB4]  }
0x2d: {  	s3 =	simm.s32 $0x108;
	s8 =	sld [smem:$0x3FB5]  }
0x2e: {  	s3 =	simm.s32 @!p0 $0x1082;
	s9 =	sld [smem:$0x3FB6]  }
0x2f: {  	lr =	sadd.s32 s0, s3;
	s0 =	sld [smem:$0x3FAD]  }
0x30: {  	s3 =	sld [smem:$0x3FB0]  }
0x31: {  	[smem:$0x3FB9] =	sst s10  }
0x32: {  	s10 =	sld [smem:$0x3FB7];
	_ =	sdelay $0x3  }
0x33: {  	p0 =	seq.s32 s10, $0x1;
	s10 =	sld [smem:$0x3FB9];
	_ =	sdelay $0x3  }
0x34: {  	[smem:$0x3FB9] =	sst s10  }
0x35: {  	s10 =	sld [smem:$0x3FB8];
	_ =	sdelay $0x3  }
0x36: {  	p1 =	seq.s32 s10, $0x1;
	s10 =	sld [smem:$0x3FB9];
	_ =	sdelay $0x3  }
0x37: {  	[smem:$0x3FB9] =	sst s10  }
0x38: {  	s10 =	sld [smem:$0x3FBA]  }
0x39: {  	_ = 	snop;
	(pc) =	sbr.ind lr, $3  }
0x3a: {  	_ = 	snop  }
0x3b: {  	_ = 	snop  }
0x3c: {  	p2 =	seq.s32 s10, $0x1;
	s10 =	sld [smem:$0x3FB9]  }
0x3d: {  	_ =	shalt  }
0x3e: {  	_ =	shalt  }
0x3f: {  	_ =	shalt  }
0x40: {  	_ =	shalt  }
0x41: {  	_ =	shalt  }
0x42: {  	_ =	shalt  }
0x43: {  	_ =	shalt  }
0x44: {  	_ =	shalt  }
0x45: {  	_ =	shalt  }
0x46: {  	_ =	shalt  }
0x47: {  	_ =	shalt  }
0x48: {  	_ =	shalt  }
0x49: {  	_ =	shalt  }
0x4a: {  	_ =	shalt  }
0x4b: {  	_ =	shalt  }
0x4c: {  	_ =	shalt  }
0x4d: {  	_ =	shalt  }
0x4e: {  	_ =	shalt  }
0x4f: {  	_ =	shalt  }
0x50: {  	_ =	shalt  }
0x51: {  	_ =	shalt  }
0x52: {  	_ =	shalt  }
0x53: {  	_ =	shalt  }
0x54: {  	_ =	shalt  }
0x55: {  	_ =	shalt  }
0x56: {  	_ =	shalt  }
0x57: {  	_ =	shalt  }
0x58: {  	_ =	shalt  }
0x59: {  	_ =	shalt  }
0x5a: {  	_ =	shalt  }
0x5b: {  	_ =	shalt  }
0x5c: {  	_ =	shalt  }
0x5d: {  	_ =	shalt  }
0x5e: {  	_ =	shalt  }
0x5f: {  	_ =	shalt  }
0x60: {  	_ =	shalt  }
0x61: {  	_ =	shalt  }
0x62: {  	_ =	shalt  }
0x63: {  	_ =	shalt  }
0x64: {  	_ =	shalt  }
0x65: {  	_ =	shalt  }
0x66: {  	_ =	shalt  }
0x67: {  	_ =	shalt  }
0x68: {  	_ =	shalt  }
0x69: {  	_ =	shalt  }
0x6a: {  	_ =	shalt  }
0x6b: {  	_ =	shalt  }
0x6c: {  	_ =	shalt  }
0x6d: {  	_ =	shalt  }
0x6e: {  	_ =	shalt  }
0x6f: {  	_ =	shalt  }
0x70: {  	_ =	shalt  }
0x71: {  	_ =	shalt  }
0x72: {  	_ =	shalt  }
0x73: {  	_ =	shalt  }
0x74: {  	_ =	shalt  }
0x75: {  	_ =	shalt  }
0x76: {  	_ =	shalt  }
0x77: {  	_ =	shalt  }
0x78: {  	_ =	shalt  }
0x79: {  	_ =	shalt  }
0x7a: {  	_ =	shalt  }
0x7b: {  	_ =	shalt  }
0x7c: {  	_ =	shalt  }
0x7d: {  	_ =	shalt  }
0x7e: {  	_ =	shalt  }
0x7f: {  	_ =	shalt  }
0x80: {  	_ =	shalt  }
0x81: {  	_ =	shalt  }
0x82: {  	_ =	shalt  }
0x83: {  	_ =	shalt  }
0x84: {  	_ =	shalt  }
0x85: {  	_ =	shalt  }
0x86: {  	_ =	shalt  }
0x87: {  	_ =	shalt  }
.Lfunc_end0:
.L_simem_size_0:
called_computation_lowered:
.L_overlay_start_0:
0x88: {  	s2 =	sld [smem:$0x3FD9]  }
0x89: {  	s3 =	sld [smem:$0x3FFE];
	_ =	sdelay $0x1  }
0x8a: {  	s1 =	srdreg.scid  }
0x8b: {  	s0 =	sand.u32 $0x1, s1  }
0x8c: {  	s17 =	sshll.u32 s0, $0xA;
	s2 =	sadd.s32 s3, s2  }
0x8d: {  	s2 =	sadd.s32 s2, s17  }
0x8e: {  	[smem:$0x3FC5] =	sst s2  }
0x8f: {  	_ = 	snop  }
0x90: {  	s2 =	sld [smem:$0x3FD0];
	(tm) =	ssettm $0x1  }
0x91: {  	s18 =	sld [smem:$0x3FFB];
	_ =	sdelay $0x3  }
0x92: {  	_ =	strace s18  }
0x93: {  	s3 =	sld [smem:$0x3FFC];
	_ =	sdelay $0x3  }
0x94: {  	_ =	strace s3  }
0x95: {  	s3 =	sld [smem:$0x3FFD];
	_ =	sdelay $0x3  }
0x96: {  	_ =	strace s3  }
0x97: {  	_ =	strace $0x8FFFFFFF  }
0x98: {  	s19 =	sld [smem:$0x3FDB];
	_ =	sdelay $0x1  }
0x99: {  	s4 =	simm.s32 $_scs_section_size  }
0x9a: {  	s5 =	simm.s32 $_size__tile_overlayer_lowered;
	s6 =	simm.s32 $_tile_overlayer_lowered  }
0x9b: {  	s22 =	simm.s32 $0x1BFF;
	s21 =	sshll.u32 s6, $0x1;
	s3 =	sadd.s32 s4, s19  }
0x9c: {  	s7 =	simm.s32 $0x0;
	s20 =	sshll.u32 s5, $0x1;
	s5 =	sadd.s32 s21, s3  }
0x9d: {  	[timem:s7], [sflag:s22] =	dma.local [hbm:s5], s20  }
0x9e: {  	_ =	swait.ge [sflag:s22], s20  }
0x9f: {  	s4 =	ssub.s32 $0x0, s20;
	[sflag:s22] =	ssyncset.done $0x0  }
0xa0: {  	[sflag:s22] =	ssyncadd.s32 s4;
	_ =	sdelay $0x1  }
0xa1: {  	s23 =	simm.s32 $0x1B8B  }
0xa2: {  	_ =	swait.ge [sflag:s23], $0x1  }
0xa3: {  	[sflag:s23] =	ssyncset.done $0x0  }
0xa4: {  	s25 =	simm.s32 $0x1B8E;
	s24 =	sld [smem:$0x3FFE];
	[sflag:s23] =	ssyncadd.s32 $0xFFFFFFFF  }
0xa5: {  	s26 =	simm.s32 $execute0_lowered;
	[smem:$0x3FD2] =	sst s25  }
0xa6: {  	s5 =	sshll.u32 s26, $0x1;
	_ =	strace $0x80000046;
	[dreg:$0x1] =	wrdreg $0xFFFFFFFF  }
0xa7: {  	s28 =	simm.s32 $_size_execute0_lowered;
	s3 =	sadd.s32 s3, s5;
	[dreg:$0x0] =	wrdreg $0x0  }
0xa8: {  	s5 =	sshll.u32 s28, $0x1;
	[dreg:$0x2] =	wrdreg s3  }
0xa9: {  	[dreg:$0x3] =	wrdreg s5  }
0xaa: {  	[dreg:$0x4] =	wrdreg $0xC0  }
0xab: {  	_ =	task [dreg:s7], $0x5FFFF  }
0xac: {  	[dreg:$0x1] =	wrdreg $0xFFFFFFFF  }
0xad: {  	[dreg:$0x0] =	wrdreg $0x60  }
0xae: {  	[dreg:$0x2] =	wrdreg s24  }
0xaf: {  	[dreg:$0x3] =	wrdreg s2  }
0xb0: {  	[dreg:$0x4] =	wrdreg $0xA8000  }
0xb1: {  	[dreg:$0x5] =	wrdreg $0x9  }
0xb2: {  	_ =	task.clear_ibuf [dreg:s7], $0x6FFFF;
	_ =	strace $0x90000046  }
0xb3: {  	s29 =	simm.s32 $0x9;
	_ =	strace $0x80000048  }
0xb4: {  	_ =	swait.ge [sflag:s29], $0x1  }
0xb5: {  	[sflag:s29] =	ssyncadd.s32 $0xFFFFFFFF  }
0xb6: {  	_ =	strace $0x90000048  }
0xb7: {  	_ =	sfence  }
0xb8: {  	s30 =	sld [smem:$0x0];
	_ =	sdelay $0x2  }
0xb9: {  	s31 =	sshll.u32 s1, $0xD;
	s1 =	sshrl.u32 s1, $0x2  }
0xba: {  	s3 =	sand.u32 $0x4000, s31;
	s1 =	sadd.s32 s1, s30  }
0xbb: {  	s0 =	sor.u32 s3, s0;
	s1 =	sshll.u32 s1, $0x11  }
0xbc: {  	s0 =	sor.u32 s1, s0  }
0xbd: {  	s0 =	sadd.s32 $0x8F2B, s0  }
0xbe: {  	[sflag:s0] =	ssyncadd.remote.s32 $0x1  }
0xbf: {  	_ =	sfence.sel $0xFFFF  }
0xc0: {  	[dreg:$0x0] =	wrdreg $0xFFFFFFFF;
	(pc) =	sbr.abs _section_cstart, $3  }
0xc1: {  	[dreg:$0x1] =	wrdreg $0xFFFFFFFF  }
0xc2: {  	_ =	task.clear_ibuf [dreg:s7], $0x2FFFF;
	_ =	strace $0x9FFFFFFF  }
0xc3: {  	(tm) =	ssettm $0x7FFFFFFF  }
tec
execute0_lowered:
.L_overlay_start_1:
0x0: {  	(tag) =	ssettag $0x1  }
0x1: {  	s0 =	rddreg [dreg:$0x0]  }
0x2: {  	s12 =	rddreg [dreg:$0x1]  }
0x3: {  	s3 =	rddreg [dreg:$0x2];
	s4 =	simm.s32 $0x0;
	s2 =	srdreg.scid  }
0x4: {  	s1 =	stileid.u32;
	s17 =	simm.s32 $0x9;
	s20 =	simm.s32 $0x40  }
0x5: {  	s28 =	simm.s32 $0x6800;
	s29 =	simm.s32 $0x4;
	s30 =	simm.s32 $0x5  }
0x6: {  	s31 =	simm.s32 $0x6;
	[smem:$0x7FF] =	sst s4;
	s2 =	sand.u32 $0x1, s2  }
0x7: {  	s21 =	smul.u32 $0x14400, s1;
	s5 =	sadd.s32 $0xDD200, s0;
	s13 =	sadd.s32 $0xC4200, s0  }
0x8: {  	s6 =	sadd.s32 $0x1A8800, s0;
	s22 =	sshll.u32 s1, $0x6;
	_ =	strace $0x80000047  }
0x9: {  	s7 =	smul.u32 $0x144000, s2;
	[dreg:$0x5] =	wrdreg s6;
	s8 =	sshll.u32 s2, $0x4  }
0xa: {  	s2 =	ssub.s32 $0x2, s2;
	s6 =	sor.u32 $0x1C0A, s22;
	s22 =	simm.s32 $0x1  }
0xb: {  	[dreg:$0x4] =	wrdreg s13;
	s8 =	sor.u32 s1, s8;
	s9 =	sshrl.u32 s2, $0x1  }
0xc: {  	s4 =	sadd.s32 s21, s3;
	[dreg:$0x6] =	wrdreg s6;
	s7 =	sadd.s32 s21, s7  }
0xd: {  	s14 =	smul.u32 $0x6400, s8;
	s2 =	ssub.s32 s2, s9;
	s4 =	sshrl.u32 s4, $0x3  }
0xe: {  	s21 =	simm.s32 $0x8800;
	s8 =	simm.s32 $0x0;
	s7 =	sshrl.u32 s7, $0x3  }
0xf: {  	s26 =	smax.u32 s2, $0x1;
	[dreg:$0xb] =	wrdreg s4;
	s23 =	sshrl.u32 s14, $0x3  }
0x10: {  	s2 =	simm.s32 $0x8;
	[dreg:$0xa] =	wrdreg s26;
	s24 =	sadd.s32 s12, s23  }
0x11: {  	s0 =	sadd.s32 s7, s0;
	s25 =	sadd.s32 s13, s23;
	[dreg:$0x7] =	wrdreg s24  }
0x12: {  	s7 =	simm.s32 $0xA;
	s0 =	sadd.s32 $0x1AB200, s0;
	[dreg:$0x8] =	wrdreg s25  }
0x13: {  	s26 =	simm.s32 $0x3;
	s23 =	simm.s32 $0x2800;
	[dreg:$0x9] =	wrdreg s0  }
0x14: {  	s24 =	simm.s32 $0x2;
	s25 =	simm.s32 $0x4800;
	s0 =	simm.s32 $0x7  }
.LBB2_1:
0x15: {  	[dreg:$0xc] =	wrdreg s8  }
0x16: {  	s1 =	rddreg [dreg:$0x5]  }
0x17: {  	[spmem:s4], [sflag:s6] =	dma.local [hbm:s1], $0x2880  }
0x18: {  	_ =	swait.ge [sflag:s7], $0x2880  }
0x19: {  	[sflag:s7] =	ssyncset.done $0x0  }
0x1a: {  	[sflag:s7] =	ssyncadd.s32 $0xFFFFD780  }
0x1b: {  	[bflag:$0x0] =	sbarrier.arrive $0xFFFF  }
0x1c: {  	s15 =	simm.s32 $0x0;
	s16 =	rddreg [dreg:$0x7]  }
0x1d: {  	[tilespmem:s15], [sflag:$0x9] =	stream.linear.gather [hbm4b:s16+s15], $0xA00, $0x38;
	[tilespmem:$0x1EC00] =	vst v63  }
0x1e: {  	s19 =	simm.s32 $0x1400;
	s18 =	rddreg [dreg:$0x8]  }
0x1f: {  	[tilespmem:s19], [sflag:$0x9] =	stream.linear.gather [hbm4b:s18+s15], $0xA00, $0x38;
	[tilespmem:$0x1EC00] =	vst v63  }
0x20: {  	_ =	swait.ge [sflag:s17], $0xA00  }
0x21: {  	[sflag:s17] =	ssyncset.done $0x0  }
0x22: {  	[sflag:s17] =	ssyncadd.s32 $0xFFFFF600  }
0x23: {  	_ =	swait.ge [sflag:s17], $0xA00  }
0x24: {  	[sflag:s17] =	ssyncset.done $0x0  }
0x25: {  	s4 =	simm.s32 $0x0;
	[sflag:s17] =	ssyncadd.s32 $0xFFFFF600  }
0x26: {  	v4 =	vld [tilespmem:s4+$0x30];
	_ =	sdelay $0x1  }
0x27: {  	v2 =	vld [tilespmem:s4+$0x20];
	_ =	sdelay $0x2  }
0x28: {  	v0 =	vld [tilespmem:s4+$0x10];
	v1 =	vand.u32 $0x7FF, v4  }
0x29: {  	v5 =	vadd.s32 $0xC350, v1;
	v1 =	vld [tilespmem:s4+$0x0]  }
0x2a: {  	vm1 =	vlt.s32 v4, $0x2710;
	v3 =	vand.u32 $0x7FF, v2  }
0x2b: {  	s9 =	simm.s32 $0x100;
	s7 =	simm.s32 $0x200;
	vm0 =	vlt.s32 v2, $0x2710;
	v3 =	vadd.s32 $0xC350, v3;
	v4 =	vsel vm1, v5, v4  }
.LBB2_2:
0x2c: {  	p0 =	sne.s32 s7, $0x2700  }
0x2d: {  	s10 =	sshra.s32 s9, $0x2;
	vm1 =	vlt.s32 v0, $0x2710;
	v5 =	vand.u32 $0x7FF, v0;
	v2 =	vsel vm0, v3, v2;
	[tilespmem:s4+$0x30] =	vst v4;
	s9 =	smov.u32 s7;
	s7 =	sadd.s32 $0x100, s7  }
0x2e: {  	v4 =	vld [tilespmem:s10+$0x30];
	vm0 =	vlt.s32 v1, $0x2710;
	v3 =	vand.u32 $0x7FF, v1;
	v5 =	vadd.s32 $0xC350, v5;
	[tilespmem:s4+$0x20] =	vst v2  }
0x2f: {  	v2 =	vld [tilespmem:s10+$0x20];
	v3 =	vadd.s32 $0xC350, v3;
	v0 =	vsel vm1, v5, v0  }
0x30: {  	v1 =	vsel vm0, v3, v1;
	[tilespmem:s4+$0x10] =	vst v0  }
.Ltmp0:
0x31: {  	v0 =	vld [tilespmem:s10+$0x10];
	[tilespmem:s4+$0x0] =	vst v1;
	s4 =	smov.u32 s10;
	(pc) =	sbr.rel @p0 .LBB2_2-.Ltmp0, $4  }
0x32: {  	v1 =	vld [tilespmem:s4+$0x0]  }
0x33: {  	vm1 =	vlt.s32 v4, $0x2710;
	v3 =	vand.u32 $0x7FF, v4  }
0x34: {  	vm0 =	vlt.s32 v2, $0x2710;
	v5 =	vand.u32 $0x7FF, v2;
	v6 =	vadd.s32 $0xC350, v3  }
0x35: {  	v3 =	vadd.s32 $0xC350, v5;
	v4 =	vsel vm1, v6, v4  }
0x36: {  	s9 =	sshra.s32 s9, $0x2;
	[tilespmem:s4+$0x30] =	vst v4;
	v55 =	vand.u32 $0x7FF, v0;
	v2 =	vsel vm0, v3, v2  }
0x37: {  	vm11 =	vlt.s32 v0, $0x2710;
	v56 =	vld [tilespmem:s9+$0x30];
	v4 =	vadd.s32 $0xC350, v55;
	[tilespmem:s4+$0x20] =	vst v2;
	v57 =	vand.u32 $0x7FF, v1  }
0x38: {  	vm12 =	vlt.s32 v1, $0x2710;
	v5 =	vld [tilespmem:s9+$0x20];
	v0 =	vsel vm11, v4, v0;
	v2 =	vadd.s32 $0xC350, v57  }
0x39: {  	[tilespmem:s4+$0x10] =	vst v0;
	v58 =	vsel vm12, v2, v1  }
0x3a: {  	v59 =	vld [tilespmem:s9+$0x10];
	[tilespmem:s4+$0x0] =	vst v58  }
0x3b: {  	v0 =	vld [tilespmem:s9+$0x0];
	_ =	sdelay $0x1  }
0x3c: {  	vm13 =	vlt.s32 v56, $0x2710;
	v60 =	vand.u32 $0x7FF, v56;
	v61 =	vand.u32 $0x7FF, v5  }
0x3d: {  	vm1 =	vlt.s32 v5, $0x2710;
	v2 =	vadd.s32 $0xC350, v60;
	v4 =	vadd.s32 $0xC350, v61  }
0x3e: {  	v2 =	vsel vm13, v2, v56;
	vm14 =	vlt.s32 v59, $0x2710;
	v62 =	vand.u32 $0x7FF, v59  }
0x3f: {  	v4 =	vsel vm1, v4, v5;
	[tilespmem:s9+$0x30] =	vst v2;
	v63 =	vand.u32 $0x7FF, v0;
	v3 =	vadd.s32 $0xC350, v62  }
0x40: {  	vm15 =	vlt.s32 v0, $0x2710;
	[tilespmem:s9+$0x20] =	vst v4;
	v2 =	vadd.s32 $0xC350, v63;
	v1 =	vsel vm14, v3, v59  }
0x41: {  	v0 =	vsel vm15, v2, v0;
	[tilespmem:s9+$0x10] =	vst v1  }
0x42: {  	s10 =	simm.s32 $0x0;
	[tilespmem:s9+$0x0] =	vst v0  }
.LBB2_4:
0x43: {  	s11 =	sshllo.u32 s10, $0x1  }
0x44: {  	s4 =	smul.u32 $0xA00, s11;
	_ =	sdelay $0x1  }
0x45: {  	s4 =	sadd.s32 s14, s4  }
0x46: {  	s6 =	simm.s32 $0x0;
	s4 =	sshrl.u32 s4, $0x3  }
0x47: {  	s1 =	simm.s32 $0xA00;
	s16 =	sor.u32 s10, s6;
	s9 =	sadd.s32 s12, s4  }
0x48: {  	[tilespmem:s1], [sflag:$0x9] =	stream.linear.gather [hbm4b:s9+s6], $0xA00, $0x38;
	[tilespmem:$0x1EC00] =	vst v63  }
0x49: {  	s15 =	simm.s32 $0x1E00;
	p0 =	sne.s32 s16, $0x0;
	s4 =	sadd.s32 s13, s4  }
0x4a: {  	[tilespmem:s15], [sflag:$0x9] =	stream.linear.gather [hbm4b:s4+s6], $0xA00, $0x38;
	[tilespmem:$0x1EC00] =	vst v63  }
0x4b: {  	s4 =	simm.s32 @p0 $0x5  }
0x4c: {  	s8 =	smov.u32 s14;
	_ =	swait.ge @p0 [sflag:s4], $0x2000  }
0x4d: {  	s14 =	simm.s32 @p0 $0x40;
	s12 =	simm.s32 @p0 $0x6;
	[sflag:s4] =	ssyncset.done @p0 $0x0  }
0x4e: {  	s9 =	simm.s32 @p0 $0x2800;
	[sflag:s4] =	ssyncadd.s32 @p0 $0xFFFFE000;
	s4 =	simm.s32 @p0 $0x0  }
0x4f: {  	[tilespmem:s9], [sflag:$0x1] =	stream.indirect.gather @p0 [hbm4b:s5+s14], $0x80, s4, s14, $0xb8;
	[tilespmem:$0x1EC00] =	vst v63  }
0x50: {  	_ =	swait.ge @p0 [sflag:s12], $0x2000  }
0x51: {  	s4 =	simm.s32 @p0 $0x7;
	[sflag:s12] =	ssyncset.done @p0 $0x0  }
0x52: {  	s9 =	simm.s32 @p0 $0x40;
	[sflag:s12] =	ssyncadd.s32 @p0 $0xFFFFE000;
	s12 =	simm.s32 @p0 $0x4800  }
0x53: {  	[tilespmem:s12], [sflag:$0x2] =	stream.indirect.gather @p0 [hbm4b:s5+s14], $0x80, s9, s14, $0xb8;
	[tilespmem:$0x1EC00] =	vst v63  }
0x54: {  	_ =	swait.ge @p0 [sflag:s4], $0x2000  }
0x55: {  	s13 =	simm.s32 $0x80;
	[sflag:s4] =	ssyncset.done @p0 $0x0  }
0x56: {  	s9 =	simm.s32 @p0 $0x8;
	[sflag:s4] =	ssyncadd.s32 @p0 $0xFFFFE000;
	s4 =	simm.s32 @p0 $0x6800  }
0x57: {  	[tilespmem:s4], [sflag:$0x3] =	stream.indirect.gather @p0 [hbm4b:s5+s14], $0x80, s13, s14, $0xb8;
	[tilespmem:$0x1EC00] =	vst v63  }
0x58: {  	_ =	swait.ge @p0 [sflag:s9], $0x2000  }
0x59: {  	s12 =	simm.s32 @!p0 $0x0;
	[sflag:s9] =	ssyncset.done @p0 $0x0  }
0x5a: {  	s4 =	simm.s32 @!p0 $0x2800;
	[sflag:s9] =	ssyncadd.s32 @p0 $0xFFFFE000;
	s9 =	simm.s32 @!p0 $0x40  }
0x5b: {  	[tilespmem:s4], [sflag:$0x1] =	stream.indirect.gather @!p0 [hbm4b:s5+s9], $0x80, s12, s9, $0xb8;
	[tilespmem:$0x1EC00] =	vst v63  }
0x5c: {  	s4 =	simm.s32 @p0 $0x0;
	s12 =	simm.s32 @!p0 $0x4800  }
0x5d: {  	[tilespmem:s12], [sflag:$0x2] =	stream.indirect.gather @!p0 [hbm4b:s5+s9], $0x80, s9, s9, $0xb8;
	[tilespmem:$0x1EC00] =	vst v63  }
0x5e: {  	s14 =	simm.s32 @!p0 $0x6800;
	s4 =	simm.s32 @!p0 $0x0;
	s12 =	simm.s32 @!p0 $0x80  }
0x5f: {  	[tilespmem:s14], [sflag:$0x3] =	stream.indirect.gather @!p0 [hbm4b:s5+s9], $0x80, s12, s9, $0xb8;
	[tilespmem:$0x1EC00] =	vst v63  }
0x60: {  	s18 =	sor.u32 $0xC0, s4  }
0x61: {  	[tilespmem:s21], [sflag:$0x4] =	stream.indirect.gather [hbm4b:s5+s20], $0x80, s18, s20, $0xb8;
	[tilespmem:$0x1EC00] =	vst v63  }
0x62: {  	_ =	swait.ge [sflag:s22], $0x2000  }
0x63: {  	[sflag:s22] =	ssyncset.done $0x0  }
0x64: {  	s19 =	sadd.s32 $0x1400, s4;
	[sflag:s22] =	ssyncadd.s32 $0xFFFFE000  }
0x65: {  	[spmem:s3] =	stream.indirect.scatter.add.f32 [tilespmem:s23], [sflag:$0x5], $0x80, s19, s20, $0xb8;
	[tilespmem:$0x1EC00] =	vst v63  }
0x66: {  	s9 =	simm.s32 @p0 $0x40;
	_ =	swait.ge [sflag:s24], $0x2000  }
0x67: {  	s9 =	simm.s32 @!p0 $0x40;
	[sflag:s24] =	ssyncset.done $0x0  }
0x68: {  	s9 =	sadd.s32 $0x1400, s9;
	[sflag:s24] =	ssyncadd.s32 $0xFFFFE000  }
0x69: {  	[spmem:s3] =	stream.indirect.scatter.add.f32 [tilespmem:s25], [sflag:$0x6], $0x80, s9, s20, $0xb8;
	[tilespmem:$0x1EC00] =	vst v63  }
0x6a: {  	s9 =	simm.s32 $0x80;
	_ =	swait.ge [sflag:s26], $0x2000  }
0x6b: {  	s9 =	simm.s32 @!p0 $0x80;
	[sflag:s26] =	ssyncset.done $0x0  }
0x6c: {  	s14 =	simm.s32 $0x1;
	s9 =	sadd.s32 $0x1400, s9;
	[sflag:s26] =	ssyncadd.s32 $0xFFFFE000  }
0x6d: {  	[spmem:s3] =	stream.indirect.scatter.add.f32 [tilespmem:s28], [sflag:$0x7], $0x80, s9, s20, $0xb8;
	[tilespmem:$0x1EC00] =	vst v63  }
0x6e: {  	s15 =	sadd.s32 $0x14C0, s4;
	s4 =	sor.u32 s10, s14;
	_ =	swait.ge [sflag:s29], $0x2000  }
0x6f: {  	s19 =	simm.s32 $0x180;
	s9 =	simm.s32 $0x280;
	[sflag:s29] =	ssyncset.done $0x0  }
.LBB2_5:
0x70: {  	p0 =	sne.s32 s4, $0x0  }
0x71: {  	s13 =	sadd.s32 $0x100, s13;
	s16 =	smov.u32 s9;
	s9 =	sadd.s32 $0x100, s9  }
0x72: {  	s12 =	simm.s32 @p0 $0x5;
	s18 =	sadd.s32 @p0 $0xFFFFFF80, s19;
	[sflag:s29] =	ssyncadd.s32 $0xFFFFE000  }
0x73: {  	[spmem:s3] =	stream.indirect.scatter.add.f32 [tilespmem:s21], [sflag:$0x8], $0x80, s15, s20, $0xb8;
	[tilespmem:$0x1EC00] =	vst v63  }
0x74: {  	s4 =	sadd.s32 @p0 $0xFFFFFFC0, s19;
	s18 =	simm.s32 @!p0 $0x0;
	_ =	swait.ge @p0 [sflag:s12], $0x2000  }
0x75: {  	s1 =	simm.s32 @p0 $0x6;
	s15 =	simm.s32 @p0 $0x2800;
	[sflag:s12] =	ssyncset.done @p0 $0x0  }
0x76: {  	s7 =	simm.s32 @p0 $0x40;
	[sflag:s12] =	ssyncadd.s32 @p0 $0xFFFFE000;
	s12 =	sadd.s32 @p0 $0xFFFFFF80, s13  }
0x77: {  	[tilespmem:s15], [sflag:$0x1] =	stream.indirect.gather @p0 [hbm4b:s5+s7], $0x80, s12, s7, $0xb8;
	[tilespmem:$0x1EC00] =	vst v63  }
0x78: {  	s12 =	smov.u32 s19  }
0x79: {  	s4 =	simm.s32 @!p0 $0x40;
	_ =	swait.ge @p0 [sflag:s1], $0x2000;
	s12 =	simm.s32 @!p0 $0x80  }
0x7a: {  	s6 =	simm.s32 @p0 $0x7;
	s15 =	sadd.s32 $0x14C0, s18;
	[sflag:s1] =	ssyncset.done @p0 $0x0  }
0x7b: {  	s19 =	simm.s32 @p0 $0x4800;
	[sflag:s1] =	ssyncadd.s32 @p0 $0xFFFFE000;
	s1 =	sadd.s32 @p0 $0xFFFFFFC0, s13  }
0x7c: {  	[tilespmem:s19], [sflag:$0x2] =	stream.indirect.gather @p0 [hbm4b:s5+s7], $0x80, s1, s7, $0xb8;
	[tilespmem:$0x1EC00] =	vst v63  }
0x7d: {  	p1 =	sne.s32 s9, $0xA80;
	s19 =	smov.u32 s16;
	_ =	swait.ge @p0 [sflag:s6], $0x2000  }
0x7e: {  	[sflag:s6] =	ssyncset.done @p0 $0x0  }
0x7f: {  	s1 =	simm.s32 @p0 $0x6800;
	[sflag:s6] =	ssyncadd.s32 @p0 $0xFFFFE000;
	s6 =	simm.s32 @p0 $0x8  }
0x80: {  	[tilespmem:s1], [sflag:$0x3] =	stream.indirect.gather @p0 [hbm4b:s5+s7], $0x80, s13, s7, $0xb8;
	[tilespmem:$0x1EC00] =	vst v63  }
0x81: {  	_ =	swait.ge @p0 [sflag:s6], $0x2000  }
0x82: {  	s1 =	simm.s32 @!p0 $0x2800;
	[sflag:s6] =	ssyncset.done @p0 $0x0  }
0x83: {  	s7 =	simm.s32 @!p0 $0x0;
	[sflag:s6] =	ssyncadd.s32 @p0 $0xFFFFE000;
	s6 =	simm.s32 @!p0 $0x40  }
0x84: {  	[tilespmem:s1], [sflag:$0x1] =	stream.indirect.gather @!p0 [hbm4b:s5+s6], $0x80, s7, s6, $0xb8;
	[tilespmem:$0x1EC00] =	vst v63  }
0x85: {  	s1 =	simm.s32 @!p0 $0x4800  }
0x86: {  	[tilespmem:s1], [sflag:$0x2] =	stream.indirect.gather @!p0 [hbm4b:s5+s6], $0x80, s6, s6, $0xb8;
	[tilespmem:$0x1EC00] =	vst v63  }
0x87: {  	s7 =	simm.s32 @!p0 $0x6800;
	s1 =	simm.s32 @!p0 $0x80  }
0x88: {  	[tilespmem:s7], [sflag:$0x3] =	stream.indirect.gather @!p0 [hbm4b:s5+s6], $0x80, s1, s6, $0xb8;
	[tilespmem:$0x1EC00] =	vst v63  }
0x89: {  	s1 =	sor.u32 $0xC0, s18  }
0x8a: {  	[tilespmem:s21], [sflag:$0x4] =	stream.indirect.gather [hbm4b:s5+s20], $0x80, s1, s20, $0xb8;
	[tilespmem:$0x1EC00] =	vst v63  }
0x8b: {  	_ =	swait.ge [sflag:s22], $0x2000  }
0x8c: {  	[sflag:s22] =	ssyncset.done $0x0  }
0x8d: {  	s1 =	sadd.s32 $0x1400, s18;
	[sflag:s22] =	ssyncadd.s32 $0xFFFFE000  }
0x8e: {  	[spmem:s3] =	stream.indirect.scatter.add.f32 [tilespmem:s23], [sflag:$0x5], $0x80, s1, s20, $0xb8;
	[tilespmem:$0x1EC00] =	vst v63  }
0x8f: {  	_ =	swait.ge [sflag:s24], $0x2000  }
0x90: {  	[sflag:s24] =	ssyncset.done $0x0  }
0x91: {  	s1 =	sadd.s32 $0x1400, s4;
	[sflag:s24] =	ssyncadd.s32 $0xFFFFE000  }
0x92: {  	[spmem:s3] =	stream.indirect.scatter.add.f32 [tilespmem:s25], [sflag:$0x6], $0x80, s1, s20, $0xb8;
	[tilespmem:$0x1EC00] =	vst v63  }
0x93: {  	_ =	swait.ge [sflag:s26], $0x2000  }
.Ltmp1:
0x94: {  	[sflag:s26] =	ssyncset.done $0x0;
	(pc) =	sbr.rel @p1 .LBB2_5-.Ltmp1, $4  }
0x95: {  	s1 =	sadd.s32 $0x1400, s12;
	[sflag:s26] =	ssyncadd.s32 $0xFFFFE000  }
0x96: {  	[spmem:s3] =	stream.indirect.scatter.add.f32 [tilespmem:s28], [sflag:$0x7], $0x80, s1, s20, $0xb8;
	[tilespmem:$0x1EC00] =	vst v63  }
0x97: {  	s14 =	sadd.s32 $0x1, s14;
	_ =	swait.ge [sflag:s29], $0x2000  }
0x98: {  	s4 =	sor.u32 s10, s14;
	[sflag:s29] =	ssyncset.done $0x0  }
0x99: {  	p0 =	sne.s32 s4, $0x0  }
0x9a: {  	[sflag:s29] =	ssyncadd.s32 $0xFFFFE000;
	s1 =	simm.s32 @p0 $0x5  }
0x9b: {  	[spmem:s3] =	stream.indirect.scatter.add.f32 [tilespmem:s21], [sflag:$0x8], $0x80, s15, s20, $0xb8;
	[tilespmem:$0x1EC00] =	vst v63  }
0x9c: {  	s4 =	sadd.s32 $0x100, s13;
	_ =	swait.ge @p0 [sflag:s1], $0x2000  }
0x9d: {  	s6 =	simm.s32 @p0 $0x2800;
	s7 =	simm.s32 @p0 $0x6;
	[sflag:s1] =	ssyncset.done @p0 $0x0  }
0x9e: {  	s9 =	simm.s32 @p0 $0x40;
	[sflag:s1] =	ssyncadd.s32 @p0 $0xFFFFE000;
	s1 =	sadd.s32 @p0 $0xFFFFFF80, s4  }
0x9f: {  	[tilespmem:s6], [sflag:$0x1] =	stream.indirect.gather @p0 [hbm4b:s5+s9], $0x80, s1, s9, $0xb8;
	[tilespmem:$0x1EC00] =	vst v63  }
0xa0: {  	_ =	swait.ge @p0 [sflag:s7], $0x2000  }
0xa1: {  	s1 =	simm.s32 @p0 $0x7;
	[sflag:s7] =	ssyncset.done @p0 $0x0  }
0xa2: {  	s6 =	sadd.s32 @p0 $0xFFFFFFC0, s4;
	[sflag:s7] =	ssyncadd.s32 @p0 $0xFFFFE000;
	s7 =	simm.s32 @p0 $0x4800  }
0xa3: {  	[tilespmem:s7], [sflag:$0x2] =	stream.indirect.gather @p0 [hbm4b:s5+s9], $0x80, s6, s9, $0xb8;
	[tilespmem:$0x1EC00] =	vst v63  }
0xa4: {  	_ =	swait.ge @p0 [sflag:s1], $0x2000  }
0xa5: {  	[sflag:s1] =	ssyncset.done @p0 $0x0  }
0xa6: {  	s6 =	simm.s32 @p0 $0x8;
	[sflag:s1] =	ssyncadd.s32 @p0 $0xFFFFE000;
	s1 =	simm.s32 @p0 $0x6800  }
0xa7: {  	[tilespmem:s1], [sflag:$0x3] =	stream.indirect.gather @p0 [hbm4b:s5+s9], $0x80, s4, s9, $0xb8;
	[tilespmem:$0x1EC00] =	vst v63  }
0xa8: {  	_ =	swait.ge @p0 [sflag:s6], $0x2000  }
0xa9: {  	s1 =	simm.s32 @!p0 $0x2800;
	[sflag:s6] =	ssyncset.done @p0 $0x0  }
0xaa: {  	s4 =	simm.s32 @!p0 $0x40;
	[sflag:s6] =	ssyncadd.s32 @p0 $0xFFFFE000;
	s6 =	simm.s32 @!p0 $0x0  }
0xab: {  	[tilespmem:s1], [sflag:$0x1] =	stream.indirect.gather @!p0 [hbm4b:s5+s4], $0x80, s6, s4, $0xb8;
	[tilespmem:$0x1EC00] =	vst v63  }
0xac: {  	s1 =	sadd.s32 @p0 $0xFFFFFF80, s19;
	s6 =	simm.s32 @!p0 $0x4800  }
0xad: {  	[tilespmem:s6], [sflag:$0x2] =	stream.indirect.gather @!p0 [hbm4b:s5+s4], $0x80, s4, s4, $0xb8;
	[tilespmem:$0x1EC00] =	vst v63  }
0xae: {  	s7 =	simm.s32 @!p0 $0x6800;
	s1 =	simm.s32 @!p0 $0x0;
	s6 =	simm.s32 @!p0 $0x80  }
0xaf: {  	[tilespmem:s7], [sflag:$0x3] =	stream.indirect.gather @!p0 [hbm4b:s5+s4], $0x80, s6, s4, $0xb8;
	[tilespmem:$0x1EC00] =	vst v63  }
0xb0: {  	s16 =	sor.u32 $0xC0, s1  }
0xb1: {  	[tilespmem:s21], [sflag:$0x4] =	stream.indirect.gather [hbm4b:s5+s20], $0x80, s16, s20, $0xb8;
	[tilespmem:$0x1EC00] =	vst v63  }
0xb2: {  	_ =	swait.ge [sflag:s22], $0x2000  }
0xb3: {  	[sflag:s22] =	ssyncset.done $0x0  }
0xb4: {  	s18 =	sadd.s32 $0x1400, s1;
	[sflag:s22] =	ssyncadd.s32 $0xFFFFE000  }
0xb5: {  	[spmem:s3] =	stream.indirect.scatter.add.f32 [tilespmem:s23], [sflag:$0x5], $0x80, s18, s20, $0xb8;
	[tilespmem:$0x1EC00] =	vst v63  }
0xb6: {  	s4 =	sadd.s32 @p0 $0xFFFFFFC0, s19;
	_ =	swait.ge [sflag:s24], $0x2000  }
0xb7: {  	s4 =	simm.s32 @!p0 $0x40;
	[sflag:s24] =	ssyncset.done $0x0  }
0xb8: {  	s4 =	sadd.s32 $0x1400, s4;
	[sflag:s24] =	ssyncadd.s32 $0xFFFFE000  }
0xb9: {  	[spmem:s3] =	stream.indirect.scatter.add.f32 [tilespmem:s25], [sflag:$0x6], $0x80, s4, s20, $0xb8;
	[tilespmem:$0x1EC00] =	vst v63  }
0xba: {  	_ =	swait.ge [sflag:s26], $0x2000  }
0xbb: {  	s19 =	simm.s32 @!p0 $0x80;
	[sflag:s26] =	ssyncset.done $0x0  }
0xbc: {  	s19 =	sadd.s32 $0x1400, s19;
	[sflag:s26] =	ssyncadd.s32 $0xFFFFE000  }
0xbd: {  	[spmem:s3] =	stream.indirect.scatter.add.f32 [tilespmem:s28], [sflag:$0x7], $0x80, s19, s20, $0xb8;
	[tilespmem:$0x1EC00] =	vst v63  }
0xbe: {  	_ =	swait.ge [sflag:s29], $0x2000  }
0xbf: {  	[sflag:s29] =	ssyncset.done $0x0  }
0xc0: {  	s1 =	sadd.s32 $0x14C0, s1;
	[sflag:s29] =	ssyncadd.s32 $0xFFFFE000  }
0xc1: {  	[spmem:s3] =	stream.indirect.scatter.add.f32 [tilespmem:s21], [sflag:$0x8], $0x80, s1, s20, $0xb8;
	[tilespmem:$0x1EC00] =	vst v63  }
0xc2: {  	_ =	swait.ge [sflag:s17], $0xA00  }
0xc3: {  	[sflag:s17] =	ssyncset.done $0x0  }
0xc4: {  	[sflag:s17] =	ssyncadd.s32 $0xFFFFF600  }
0xc5: {  	_ =	swait.ge [sflag:s17], $0xA00  }
0xc6: {  	[sflag:s17] =	ssyncset.done $0x0  }
0xc7: {  	s4 =	simm.s32 $0x0;
	[sflag:s17] =	ssyncadd.s32 $0xFFFFF600  }
0xc8: {  	v4 =	vld [tilespmem:s4+$0xA30];
	_ =	sdelay $0x1  }
0xc9: {  	v2 =	vld [tilespmem:s4+$0xA20];
	_ =	sdelay $0x2  }
0xca: {  	v0 =	vld [tilespmem:s4+$0xA10];
	v1 =	vand.u32 $0x7FF, v4  }
0xcb: {  	v5 =	vadd.s32 $0xC350, v1;
	v1 =	vld [tilespmem:s4+$0xA00]  }
0xcc: {  	vm1 =	vlt.s32 v4, $0x2710;
	v3 =	vand.u32 $0x7FF, v2  }
0xcd: {  	s12 =	simm.s32 $0x100;
	s9 =	simm.s32 $0x200;
	vm0 =	vlt.s32 v2, $0x2710;
	v3 =	vadd.s32 $0xC350, v3;
	v4 =	vsel vm1, v5, v4  }
.LBB2_7:
0xce: {  	p0 =	sne.s32 s9, $0x2700  }
0xcf: {  	s1 =	sshra.s32 s12, $0x2;
	vm1 =	vlt.s32 v0, $0x2710;
	v5 =	vand.u32 $0x7FF, v0;
	v2 =	vsel vm0, v3, v2;
	[tilespmem:s4+$0xA30] =	vst v4;
	s12 =	smov.u32 s9;
	s9 =	sadd.s32 $0x100, s9  }
0xd0: {  	v4 =	vld [tilespmem:s1+$0xA30];
	vm0 =	vlt.s32 v1, $0x2710;
	v3 =	vand.u32 $0x7FF, v1;
	v5 =	vadd.s32 $0xC350, v5;
	[tilespmem:s4+$0xA20] =	vst v2  }
0xd1: {  	v2 =	vld [tilespmem:s1+$0xA20];
	v3 =	vadd.s32 $0xC350, v3;
	v0 =	vsel vm1, v5, v0  }
0xd2: {  	v1 =	vsel vm0, v3, v1;
	[tilespmem:s4+$0xA10] =	vst v0  }
.Ltmp2:
0xd3: {  	v0 =	vld [tilespmem:s1+$0xA10];
	[tilespmem:s4+$0xA00] =	vst v1;
	s4 =	smov.u32 s1;
	(pc) =	sbr.rel @p0 .LBB2_7-.Ltmp2, $4  }
0xd4: {  	v1 =	vld [tilespmem:s4+$0xA00]  }
0xd5: {  	vm1 =	vlt.s32 v4, $0x2710;
	v3 =	vand.u32 $0x7FF, v4  }
0xd6: {  	vm0 =	vlt.s32 v2, $0x2710;
	v5 =	vand.u32 $0x7FF, v2;
	v6 =	vadd.s32 $0xC350, v3  }
0xd7: {  	v3 =	vadd.s32 $0xC350, v5;
	v4 =	vsel vm1, v6, v4  }
0xd8: {  	s1 =	sshra.s32 s12, $0x2;
	[tilespmem:s4+$0xA30] =	vst v4;
	v55 =	vand.u32 $0x7FF, v0;
	v2 =	vsel vm0, v3, v2  }
0xd9: {  	vm11 =	vlt.s32 v0, $0x2710;
	v56 =	vld [tilespmem:s1+$0xA30];
	v4 =	vadd.s32 $0xC350, v55;
	[tilespmem:s4+$0xA20] =	vst v2;
	v57 =	vand.u32 $0x7FF, v1  }
0xda: {  	vm12 =	vlt.s32 v1, $0x2710;
	v5 =	vld [tilespmem:s1+$0xA20];
	v0 =	vsel vm11, v4, v0;
	v2 =	vadd.s32 $0xC350, v57  }
0xdb: {  	[tilespmem:s4+$0xA10] =	vst v0;
	v58 =	vsel vm12, v2, v1  }
0xdc: {  	v59 =	vld [tilespmem:s1+$0xA10];
	[tilespmem:s4+$0xA00] =	vst v58  }
0xdd: {  	v0 =	vld [tilespmem:s1+$0xA00];
	_ =	sdelay $0x1  }
0xde: {  	s18 =	smul.u32 $0x1400, s10;
	vm13 =	vlt.s32 v56, $0x2710;
	v60 =	vand.u32 $0x7FF, v56;
	v61 =	vand.u32 $0x7FF, v5  }
0xdf: {  	vm1 =	vlt.s32 v5, $0x2710;
	v2 =	vadd.s32 $0xC350, v60;
	v4 =	vadd.s32 $0xC350, v61  }
0xe0: {  	p0 =	slt.u32 s11, $0x9;
	s4 =	sadd.s32 $0x1400, s18;
	v2 =	vsel vm13, v2, v56;
	vm14 =	vlt.s32 v59, $0x2710;
	v62 =	vand.u32 $0x7FF, v59  }
0xe1: {  	s4 =	simm.s32 @!p0 $0x0;
	v4 =	vsel vm1, v4, v5;
	[tilespmem:s1+$0xA30] =	vst v2;
	v63 =	vand.u32 $0x7FF, v0;
	v3 =	vadd.s32 $0xC350, v62  }
0xe2: {  	s4 =	sadd.s32 s8, s4;
	vm15 =	vlt.s32 v0, $0x2710;
	[tilespmem:s1+$0xA20] =	vst v4;
	v2 =	vadd.s32 $0xC350, v63;
	v1 =	vsel vm14, v3, v59  }
0xe3: {  	s12 =	rddreg [dreg:$0x1];
	s4 =	sshrl.u32 s4, $0x3;
	v0 =	vsel vm15, v2, v0;
	[tilespmem:s1+$0xA10] =	vst v1  }
0xe4: {  	s6 =	simm.s32 $0x0;
	s13 =	rddreg [dreg:$0x4];
	s19 =	sadd.s32 s12, s4;
	[tilespmem:s1+$0xA00] =	vst v0  }
0xe5: {  	[tilespmem:s6], [sflag:$0x9] =	stream.linear.gather [hbm4b:s19+s6], $0xA00, $0x38;
	[tilespmem:$0x1EC00] =	vst v63  }
0xe6: {  	s7 =	simm.s32 $0x1400;
	s4 =	sadd.s32 s13, s4  }
0xe7: {  	[tilespmem:s7], [sflag:$0x9] =	stream.linear.gather [hbm4b:s4+s6], $0xA00, $0x38;
	[tilespmem:$0x1EC00] =	vst v63  }
0xe8: {  	_ =	swait.ge [sflag:s30], $0x2000  }
0xe9: {  	[sflag:s30] =	ssyncset.done $0x0  }
0xea: {  	s14 =	smov.u32 s8;
	s8 =	simm.s32 $0xA00;
	[sflag:s30] =	ssyncadd.s32 $0xFFFFE000  }
0xeb: {  	[tilespmem:s23], [sflag:$0x1] =	stream.indirect.gather [hbm4b:s5+s20], $0x80, s8, s20, $0xb8;
	[tilespmem:$0x1EC00] =	vst v63  }
0xec: {  	_ =	swait.ge [sflag:s31], $0x2000  }
0xed: {  	[sflag:s31] =	ssyncset.done $0x0  }
0xee: {  	s9 =	simm.s32 $0xA40;
	[sflag:s31] =	ssyncadd.s32 $0xFFFFE000  }
0xef: {  	[tilespmem:s25], [sflag:$0x2] =	stream.indirect.gather [hbm4b:s5+s20], $0x80, s9, s20, $0xb8;
	[tilespmem:$0x1EC00] =	vst v63  }
0xf0: {  	_ =	swait.ge [sflag:s0], $0x2000  }
0xf1: {  	[sflag:s0] =	ssyncset.done $0x0  }
0xf2: {  	s11 =	simm.s32 $0xA80;
	[sflag:s0] =	ssyncadd.s32 $0xFFFFE000  }
0xf3: {  	[tilespmem:s28], [sflag:$0x3] =	stream.indirect.gather [hbm4b:s5+s20], $0x80, s11, s20, $0xb8;
	[tilespmem:$0x1EC00] =	vst v63  }
0xf4: {  	_ =	swait.ge [sflag:s2], $0x2000  }
0xf5: {  	[sflag:s2] =	ssyncset.done $0x0  }
0xf6: {  	s15 =	simm.s32 $0xAC0;
	[sflag:s2] =	ssyncadd.s32 $0xFFFFE000  }
0xf7: {  	[tilespmem:s21], [sflag:$0x4] =	stream.indirect.gather [hbm4b:s5+s20], $0x80, s15, s20, $0xb8;
	[tilespmem:$0x1EC00] =	vst v63  }
0xf8: {  	_ =	swait.ge [sflag:s22], $0x2000  }
0xf9: {  	[sflag:s22] =	ssyncset.done $0x0  }
0xfa: {  	s16 =	simm.s32 $0x1E00;
	[sflag:s22] =	ssyncadd.s32 $0xFFFFE000  }
0xfb: {  	[spmem:s3] =	stream.indirect.scatter.add.f32 [tilespmem:s23], [sflag:$0x5], $0x80, s16, s20, $0xb8;
	[tilespmem:$0x1EC00] =	vst v63  }
0xfc: {  	_ =	swait.ge [sflag:s24], $0x2000  }
0xfd: {  	[sflag:s24] =	ssyncset.done $0x0  }
0xfe: {  	s18 =	simm.s32 $0x1E40;
	[sflag:s24] =	ssyncadd.s32 $0xFFFFE000  }
0xff: {  	[spmem:s3] =	stream.indirect.scatter.add.f32 [tilespmem:s25], [sflag:$0x6], $0x80, s18, s20, $0xb8;
	[tilespmem:$0x1EC00] =	vst v63  }
0x100: {  	_ =	swait.ge [sflag:s26], $0x2000  }
0x101: {  	[sflag:s26] =	ssyncset.done $0x0  }
0x102: {  	s19 =	simm.s32 $0x1E80;
	[sflag:s26] =	ssyncadd.s32 $0xFFFFE000  }
0x103: {  	[spmem:s3] =	stream.indirect.scatter.add.f32 [tilespmem:s28], [sflag:$0x7], $0x80, s19, s20, $0xb8;
	[tilespmem:$0x1EC00] =	vst v63  }
0x104: {  	_ =	swait.ge [sflag:s29], $0x2000  }
0x105: {  	[sflag:s29] =	ssyncset.done $0x0  }
0x106: {  	s4 =	simm.s32 $0x1EC0;
	s9 =	simm.s32 $0x400;
	[sflag:s29] =	ssyncadd.s32 $0xFFFFE000  }
.LBB2_9:
0x107: {  	[spmem:s3] =	stream.indirect.scatter.add.f32 [tilespmem:s21], [sflag:$0x8], $0x80, s4, s20, $0xb8;
	[tilespmem:$0x1EC00] =	vst v63  }
0x108: {  	s1 =	smov.u32 s9  }
0x109: {  	p0 =	sne.s32 s9, $0x2400;
	s9 =	sadd.s32 $0x400, s9;
	_ =	swait.ge [sflag:s30], $0x2000  }
0x10a: {  	s4 =	sshra.s32 s1, $0x2;
	[sflag:s30] =	ssyncset.done $0x0  }
0x10b: {  	s1 =	sadd.s32 $0xA00, s4;
	[sflag:s30] =	ssyncadd.s32 $0xFFFFE000  }
0x10c: {  	[tilespmem:s23], [sflag:$0x1] =	stream.indirect.gather [hbm4b:s5+s20], $0x80, s1, s20, $0xb8;
	[tilespmem:$0x1EC00] =	vst v63  }
0x10d: {  	_ =	swait.ge [sflag:s31], $0x2000  }
0x10e: {  	[sflag:s31] =	ssyncset.done $0x0  }
0x10f: {  	s1 =	sadd.s32 $0xA40, s4;
	[sflag:s31] =	ssyncadd.s32 $0xFFFFE000  }
0x110: {  	[tilespmem:s25], [sflag:$0x2] =	stream.indirect.gather [hbm4b:s5+s20], $0x80, s1, s20, $0xb8;
	[tilespmem:$0x1EC00] =	vst v63  }
0x111: {  	_ =	swait.ge [sflag:s0], $0x2000  }
0x112: {  	[sflag:s0] =	ssyncset.done $0x0  }
0x113: {  	s1 =	sadd.s32 $0xA80, s4;
	[sflag:s0] =	ssyncadd.s32 $0xFFFFE000  }
0x114: {  	[tilespmem:s28], [sflag:$0x3] =	stream.indirect.gather [hbm4b:s5+s20], $0x80, s1, s20, $0xb8;
	[tilespmem:$0x1EC00] =	vst v63  }
0x115: {  	_ =	swait.ge [sflag:s2], $0x2000  }
0x116: {  	[sflag:s2] =	ssyncset.done $0x0  }
0x117: {  	s1 =	sadd.s32 $0xAC0, s4;
	[sflag:s2] =	ssyncadd.s32 $0xFFFFE000  }
0x118: {  	[tilespmem:s21], [sflag:$0x4] =	stream.indirect.gather [hbm4b:s5+s20], $0x80, s1, s20, $0xb8;
	[tilespmem:$0x1EC00] =	vst v63  }
0x119: {  	_ =	swait.ge [sflag:s22], $0x2000  }
0x11a: {  	[sflag:s22] =	ssyncset.done $0x0  }
0x11b: {  	s1 =	sadd.s32 $0x1E00, s4;
	[sflag:s22] =	ssyncadd.s32 $0xFFFFE000  }
0x11c: {  	[spmem:s3] =	stream.indirect.scatter.add.f32 [tilespmem:s23], [sflag:$0x5], $0x80, s1, s20, $0xb8;
	[tilespmem:$0x1EC00] =	vst v63  }
0x11d: {  	_ =	swait.ge [sflag:s24], $0x2000  }
0x11e: {  	[sflag:s24] =	ssyncset.done $0x0  }
0x11f: {  	s1 =	sadd.s32 $0x1E40, s4;
	[sflag:s24] =	ssyncadd.s32 $0xFFFFE000  }
0x120: {  	[spmem:s3] =	stream.indirect.scatter.add.f32 [tilespmem:s25], [sflag:$0x6], $0x80, s1, s20, $0xb8;
	[tilespmem:$0x1EC00] =	vst v63  }
0x121: {  	_ =	swait.ge [sflag:s26], $0x2000  }
0x122: {  	[sflag:s26] =	ssyncset.done $0x0  }
.Ltmp3:
0x123: {  	s1 =	sadd.s32 $0x1E80, s4;
	[sflag:s26] =	ssyncadd.s32 $0xFFFFE000;
	(pc) =	sbr.rel @p0 .LBB2_9-.Ltmp3, $4  }
0x124: {  	[spmem:s3] =	stream.indirect.scatter.add.f32 [tilespmem:s28], [sflag:$0x7], $0x80, s1, s20, $0xb8;
	[tilespmem:$0x1EC00] =	vst v63  }
0x125: {  	_ =	swait.ge [sflag:s29], $0x2000  }
0x126: {  	[sflag:s29] =	ssyncset.done $0x0  }
0x127: {  	s4 =	sadd.s32 $0x1EC0, s4;
	[sflag:s29] =	ssyncadd.s32 $0xFFFFE000  }
0x128: {  	[spmem:s3] =	stream.indirect.scatter.add.f32 [tilespmem:s21], [sflag:$0x8], $0x80, s4, s20, $0xb8;
	[tilespmem:$0x1EC00] =	vst v63  }
0x129: {  	_ =	swait.ge [sflag:s17], $0xA00  }
0x12a: {  	[sflag:s17] =	ssyncset.done $0x0  }
0x12b: {  	[sflag:s17] =	ssyncadd.s32 $0xFFFFF600  }
0x12c: {  	_ =	swait.ge [sflag:s17], $0xA00  }
0x12d: {  	[sflag:s17] =	ssyncset.done $0x0  }
0x12e: {  	s4 =	simm.s32 $0x0;
	[sflag:s17] =	ssyncadd.s32 $0xFFFFF600  }
0x12f: {  	v4 =	vld [tilespmem:s4+$0x30];
	_ =	sdelay $0x1  }
0x130: {  	v2 =	vld [tilespmem:s4+$0x20];
	_ =	sdelay $0x2  }
0x131: {  	v0 =	vld [tilespmem:s4+$0x10];
	v1 =	vand.u32 $0x7FF, v4  }
0x132: {  	v5 =	vadd.s32 $0xC350, v1;
	v1 =	vld [tilespmem:s4+$0x0]  }
0x133: {  	vm1 =	vlt.s32 v4, $0x2710;
	v3 =	vand.u32 $0x7FF, v2  }
0x134: {  	s11 =	simm.s32 $0x100;
	s9 =	simm.s32 $0x200;
	vm0 =	vlt.s32 v2, $0x2710;
	v3 =	vadd.s32 $0xC350, v3;
	v4 =	vsel vm1, v5, v4  }
.LBB2_11:
0x135: {  	p0 =	sne.s32 s9, $0x2700  }
0x136: {  	s1 =	sshra.s32 s11, $0x2;
	vm1 =	vlt.s32 v0, $0x2710;
	v5 =	vand.u32 $0x7FF, v0;
	v2 =	vsel vm0, v3, v2;
	[tilespmem:s4+$0x30] =	vst v4;
	s11 =	smov.u32 s9;
	s9 =	sadd.s32 $0x100, s9  }
0x137: {  	v4 =	vld [tilespmem:s1+$0x30];
	vm0 =	vlt.s32 v1, $0x2710;
	v3 =	vand.u32 $0x7FF, v1;
	v5 =	vadd.s32 $0xC350, v5;
	[tilespmem:s4+$0x20] =	vst v2  }
0x138: {  	v2 =	vld [tilespmem:s1+$0x20];
	v3 =	vadd.s32 $0xC350, v3;
	v0 =	vsel vm1, v5, v0  }
0x139: {  	v1 =	vsel vm0, v3, v1;
	[tilespmem:s4+$0x10] =	vst v0  }
.Ltmp4:
0x13a: {  	v0 =	vld [tilespmem:s1+$0x10];
	[tilespmem:s4+$0x0] =	vst v1;
	s4 =	smov.u32 s1;
	(pc) =	sbr.rel @p0 .LBB2_11-.Ltmp4, $4  }
0x13b: {  	v1 =	vld [tilespmem:s4+$0x0]  }
0x13c: {  	vm1 =	vlt.s32 v4, $0x2710;
	v3 =	vand.u32 $0x7FF, v4  }
0x13d: {  	vm0 =	vlt.s32 v2, $0x2710;
	v5 =	vand.u32 $0x7FF, v2;
	v6 =	vadd.s32 $0xC350, v3  }
0x13e: {  	v3 =	vadd.s32 $0xC350, v5;
	v4 =	vsel vm1, v6, v4  }
0x13f: {  	s1 =	sshra.s32 s11, $0x2;
	[tilespmem:s4+$0x30] =	vst v4;
	v55 =	vand.u32 $0x7FF, v0;
	v2 =	vsel vm0, v3, v2  }
0x140: {  	vm11 =	vlt.s32 v0, $0x2710;
	v56 =	vld [tilespmem:s1+$0x30];
	v4 =	vadd.s32 $0xC350, v55;
	[tilespmem:s4+$0x20] =	vst v2;
	v57 =	vand.u32 $0x7FF, v1  }
0x141: {  	vm12 =	vlt.s32 v1, $0x2710;
	v5 =	vld [tilespmem:s1+$0x20];
	v0 =	vsel vm11, v4, v0;
	v2 =	vadd.s32 $0xC350, v57  }
0x142: {  	[tilespmem:s4+$0x10] =	vst v0;
	v58 =	vsel vm12, v2, v1  }
0x143: {  	v59 =	vld [tilespmem:s1+$0x10];
	[tilespmem:s4+$0x0] =	vst v58  }
0x144: {  	v0 =	vld [tilespmem:s1+$0x0];
	_ =	sdelay $0x1  }
0x145: {  	s10 =	sadd.s32 $0x1, s10;
	vm13 =	vlt.s32 v56, $0x2710;
	v60 =	vand.u32 $0x7FF, v56;
	v61 =	vand.u32 $0x7FF, v5  }
0x146: {  	p0 =	sne.s32 s10, $0x5;
	vm1 =	vlt.s32 v5, $0x2710;
	v2 =	vadd.s32 $0xC350, v60;
	v4 =	vadd.s32 $0xC350, v61  }
.Ltmp5:
0x147: {  	v2 =	vsel vm13, v2, v56;
	vm14 =	vlt.s32 v59, $0x2710;
	v62 =	vand.u32 $0x7FF, v59;
	(pc) =	sbr.rel @p0 .LBB2_4-.Ltmp5, $4  }
0x148: {  	v4 =	vsel vm1, v4, v5;
	[tilespmem:s1+$0x30] =	vst v2;
	v63 =	vand.u32 $0x7FF, v0;
	v3 =	vadd.s32 $0xC350, v62  }
0x149: {  	vm15 =	vlt.s32 v0, $0x2710;
	[tilespmem:s1+$0x20] =	vst v4;
	v2 =	vadd.s32 $0xC350, v63;
	v1 =	vsel vm14, v3, v59  }
0x14a: {  	v0 =	vsel vm15, v2, v0;
	[tilespmem:s1+$0x10] =	vst v1  }
0x14b: {  	[tilespmem:s1+$0x0] =	vst v0  }
0x14c: {  	_ =	swait.ge [sflag:s30], $0x2000  }
0x14d: {  	[sflag:s30] =	ssyncset.done $0x0  }
0x14e: {  	[sflag:s30] =	ssyncadd.s32 $0xFFFFE000  }
0x14f: {  	_ =	swait.ge [sflag:s31], $0x2000  }
0x150: {  	[sflag:s31] =	ssyncset.done $0x0  }
0x151: {  	[sflag:s31] =	ssyncadd.s32 $0xFFFFE000  }
0x152: {  	_ =	swait.ge [sflag:s0], $0x2000  }
0x153: {  	[sflag:s0] =	ssyncset.done $0x0  }
0x154: {  	[sflag:s0] =	ssyncadd.s32 $0xFFFFE000  }
0x155: {  	_ =	swait.ge [sflag:s2], $0x2000  }
0x156: {  	[sflag:s2] =	ssyncset.done $0x0  }
0x157: {  	[sflag:s2] =	ssyncadd.s32 $0xFFFFE000  }
0x158: {  	[bflag:$0x0] =	sbarrier.arrive $0xFFFF  }
0x159: {  	s6 =	rddreg [dreg:$0x6]  }
0x15a: {  	s1 =	rddreg [dreg:$0x9]  }
0x15b: {  	s7 =	simm.s32 $0xA;
	s4 =	rddreg [dreg:$0xb]  }
0x15c: {  	[hbm:s1], [sflag:s6] =	dma.local [spmem:s4], $0x2880  }
0x15d: {  	_ =	swait.ge [sflag:s7], $0x2880  }
0x15e: {  	s8 =	rddreg [dreg:$0xc]  }
0x15f: {  	s19 =	rddreg [dreg:$0xa];
	s8 =	sadd.s32 $0x1, s8  }
0x160: {  	p0 =	sne.s32 s8, s19  }
.Ltmp6:
0x161: {  	_ = 	snop;
	(pc) =	sbr.rel @p0 .LBB2_1-.Ltmp6, $3  }
0x162: {  	_ =	sdelay $0x1  }
0x163: {  	[sflag:s7] =	ssyncset.done $0x0  }
0x164: {  	[sflag:s7] =	ssyncadd.s32 $0xFFFFD780  }
0x165: {  	_ =	sfence.sel $0x180000  }
0x166: {  	[bflag:$0x0] =	sbarrier.arrive $0xFFFF  }
0x167: {  	_ =	strace $0x90000047  }
0x168: {  	s0 =	stileid.u32;
	[bflag:$0x2] =	sbarrier.arrive $0xFFFF  }
0x169: {  	p0 =	sne.s32 s0, $0x0;
	s0 =	rddreg [dreg:$0x3]  }
0x16a: {  	s0 =	sadd.s32 @!p0 $0x100000, s0  }
0x16b: {  	[sflag:s0] =	ssyncadd.tile.s32 @!p0 $0x1;
	_ =	shalt  }
.Lfunc_end2:
_tile_overlayer_lowered:
.L_overlay_start_2:
0x16c: {  	(tag) =	ssettag $0x2  }
0x16d: {  	s0 =	rddreg [dreg:$0x0];
	s2 =	stileid.u32  }
0x16e: {  	s1 =	rddreg [dreg:$0x1];
	p0 =	sne.s32 s2, $0x0  }
0x16f: {  	s3 =	rddreg [dreg:$0x2];
	[bflag:$0x3] =	sbarrier.arrive $0xFFFF;
	s2 =	simm.s32 @!p0 $0x1C0A  }
0x170: {  	[timem:s3], [sflag:s2] =	dma.local @!p0 [hbm:s0], s1  }
0x171: {  	s0 =	simm.s32 @!p0 $0xA  }
0x172: {  	_ =	swait.ge @!p0 [sflag:s0], s1  }
0x173: {  	s1 =	ssub.s32 @!p0 $0x0, s1;
	[sflag:s0] =	ssyncset.done @!p0 $0x0  }
0x174: {  	[sflag:s0] =	ssyncadd.s32 @!p0 s1  }
0x175: {  	[bflag:$0x3] =	sbarrier.arrive $0xFFFF  }
0x176: {  	_ =	shalt  }

</sc_bundles>
